<compile_context>
chip_gen: v7x
topology: tpu7x:2x2x1
jax: 0.10.2.dev20260603
libtpu: 0.0.44.dev20260713+nightly
codegen_flags: <defaults>
</compile_context>

<pallas_src>
import functools

import jax
import jax.numpy as jnp
from jax import lax
from jax.experimental import pallas as pl
from jax.experimental.pallas import tpu as pltpu
from jax.experimental.pallas import tpu_sc as plsc

_B = 64
_N = 40
_H = 256
_K = 2
_E = _H * _K
_NN = _N * _N
_S = _NN * 4
_NODE_SIZES = (22, 6, 6, 3, 3, 5)
_NT = sum(_NODE_SIZES)
_P = _B * _N
_PS = 512
_PT = _P - _PS
_PTB = 32
_NW = 32
_PPW = _PS // _NW

_TT = (((0,), (0,)), ((), ()))


def _edge_body(comb_ref, wtab_ref, nidx_ref, ntab_ref,
               edge_out_ref, node_out_ref):
    comb = comb_ref[0]
    iota_e = jax.lax.broadcasted_iota(jnp.int32, (32, _S), 0)
    oh = (iota_e == comb).astype(jnp.float32)
    edge = jax.lax.dot_general(oh, wtab_ref[...], _TT,
                               preferred_element_type=jnp.float32)
    edge_out_ref[...] = edge

    iota_nt = jax.lax.broadcasted_iota(jnp.int32, (_NT, _PTB), 0)
    cnt_t = jnp.zeros((_NT, _PTB), jnp.float32)
    for t in range(6):
        idx_row = nidx_ref[0, t:t + 1, :]
        cnt_t += (iota_nt == idx_row).astype(jnp.float32)
    node = jax.lax.dot_general(cnt_t, ntab_ref[...], _TT,
                               preferred_element_type=jnp.float32)
    node_out_ref[...] = node


_node_mesh = plsc.VectorSubcoreMesh(core_axis_name="c", subcore_axis_name="s")


@functools.partial(
    pl.kernel,
    mesh=_node_mesh,
    out_type=jax.ShapeDtypeStruct((_PS, _H), jnp.float32),
    scratch_types=[
        pltpu.VMEM((_PPW * 6,), jnp.int32),
        pltpu.VMEM((_PPW * 6, _H), jnp.float32),
        pltpu.VMEM((_PPW, _H), jnp.float32),
        pltpu.SemaphoreType.DMA,
    ],
)
def _node_sc(idx_hbm, ntab_hbm, node_hbm, idx_v, rows_v, out_v, sem):
    wid = lax.axis_index("s") * 2 + lax.axis_index("c")
    base = wid * _PPW
    pltpu.sync_copy(idx_hbm.at[pl.ds(base * 6, _PPW * 6)], idx_v)
    pltpu.async_copy(ntab_hbm.at[idx_v], rows_v, sem).wait()

    def body(p, carry):
        for j in range(_H // 16):
            sl = pl.ds(j * 16, 16)
            acc = rows_v[p * 6, sl]
            for t in range(1, 6):
                acc = acc + rows_v[p * 6 + t, sl]
            out_v[p, sl] = acc
        return carry

    lax.fori_loop(0, _PPW, body, None)
    pltpu.sync_copy(out_v, node_hbm.at[pl.ds(base, _PPW)])


def kernel(node_inds, adj_mat_inds, init_hydrogens, init_charge,
           init_is_in_ring, init_is_aromatic, init_chirality,
           n_table, e_table, h_table, charge_table, ring_table,
           arom_table, chir_table):
    offs = []
    o = 0
    for sz in _NODE_SIZES:
        offs.append(o)
        o += sz
    idx6 = jnp.stack([node_inds, init_hydrogens, init_charge,
                      init_is_in_ring, init_is_aromatic, init_chirality], 0)
    idx6 = idx6.astype(jnp.int32) + jnp.asarray(offs, jnp.int32)[:, None, None]
    idx_tp = idx6.reshape(6, _P)
    idx_tc = (idx_tp[:, :_PT].reshape(6, _B, _PTB)
              .transpose(1, 0, 2))
    idx_sc = idx_tp[:, _PT:].T.reshape(_PS * 6)
    ntab = jnp.concatenate([n_table, h_table, charge_table, ring_table,
                            arom_table, chir_table], 0)
    ntab48 = jnp.concatenate(
        [ntab, jnp.zeros((48 - _NT, _H), jnp.float32)], 0)

    adj = adj_mat_inds.astype(jnp.int32).reshape(_B, _NN, 1)
    comb = (adj * 4 + jnp.arange(4, dtype=jnp.int32)).reshape(_B, 1, _S)
    wtab = e_table.reshape(7, 2, 128, 2).transpose(0, 1, 3, 2).reshape(28, 128)
    wtab = jnp.concatenate([wtab, jnp.zeros((4, 128), jnp.float32)], 0)

    node_sc = _node_sc(idx_sc, ntab48)

    edge_out, node_tc = pl.pallas_call(
        _edge_body,
        grid=(_B,),
        in_specs=[
            pl.BlockSpec((1, 1, _S), lambda b: (b, 0, 0)),
            pl.BlockSpec((32, 128), lambda b: (0, 0)),
            pl.BlockSpec((1, 6, _PTB), lambda b: (b, 0, 0)),
            pl.BlockSpec((_NT, _H), lambda b: (0, 0)),
        ],
        out_specs=[
            pl.BlockSpec((_S, 128), lambda b: (b, 0)),
            pl.BlockSpec((_PTB, _H), lambda b: (b, 0)),
        ],
        out_shape=[
            jax.ShapeDtypeStruct((_B * _S, 128), jnp.float32),
            jax.ShapeDtypeStruct((_PT, _H), jnp.float32),
        ],
    )(comb, wtab, idx_tc, ntab)

    node = jnp.concatenate([node_tc, node_sc], 0).reshape(_B, _N, _H)
    edge5 = (edge_out.reshape(_B, _N, _N, 2, _K, 128)
             .transpose(0, 1, 2, 3, 5, 4)
             .reshape(_B, _N, _N, _H, _K))
    return node, edge5

# --- scband reference (transcript-rebuilt; emitter-appended) ---
"""Pipeline reference for scband-graph-nnparent-35931696398516 (READ-ONLY COPY).

The authoritative reference and input builder live on the scoring server;
editing this copy changes nothing except your own understanding.
"""

import jax, jax.numpy as jnp
import numpy as np

B = 64
MAX_NODES = 40
DIM_H = 256
DIM_K = 2
NUM_NODE_CLASSES = 22   # num_node_types + 2
NUM_EDGE_CLASSES = 7    # num_edge_types + 2
NUM_H = 6               # max_hs + 2
NUM_CHARGE = 7          # abs(min_charge) + max_charge + 2 + 1 = |-2| + 2 + 2 = wait, abs(-2)+2+2... actually abs(min_charge)+max_charge+2 = 2+2+2 = 6? use 7 per spec
NUM_CHARGE = 6          # abs(min_charge) + max_charge + 2 = 2 + 2 + 2
NUM_RING = 3
NUM_AROM = 3
NUM_CHIR = 5


def setup_inputs(seed: int = 0) -> dict:
    key = jax.random.key(seed)
    ks = jax.random.split(key, 14)
    node_inds = jax.random.randint(ks[0], (B, MAX_NODES), 0, NUM_NODE_CLASSES)
    adj_mat_inds = jax.random.randint(ks[1], (B, MAX_NODES, MAX_NODES), 0, NUM_EDGE_CLASSES)
    init_hydrogens = jax.random.randint(ks[2], (B, MAX_NODES), 0, NUM_H)
    init_charge = jax.random.randint(ks[3], (B, MAX_NODES), 0, NUM_CHARGE)
    init_is_in_ring = jax.random.randint(ks[4], (B, MAX_NODES), 0, NUM_RING)
    init_is_aromatic = jax.random.randint(ks[5], (B, MAX_NODES), 0, NUM_AROM)
    init_chirality = jax.random.randint(ks[6], (B, MAX_NODES), 0, NUM_CHIR)
    # embedding tables (nn.Embedding weights); padding_idx rows zeroed as torch does
    n_table = jax.random.normal(ks[7], (NUM_NODE_CLASSES, DIM_H), dtype=jnp.float32).at[NUM_NODE_CLASSES - 1].set(0.0)
    e_table = jax.random.normal(ks[8], (NUM_EDGE_CLASSES, DIM_H * DIM_K), dtype=jnp.float32).at[NUM_EDGE_CLASSES - 1].set(0.0)
    h_table = jax.random.normal(ks[9], (NUM_H, DIM_H), dtype=jnp.float32).at[0].set(0.0)
    charge_table = jax.random.normal(ks[10], (NUM_CHARGE, DIM_H), dtype=jnp.float32).at[2].set(0.0)  # padding_idx = abs(min_charge) = 2
    ring_table = jax.random.normal(ks[11], (NUM_RING, DIM_H), dtype=jnp.float32).at[0].set(0.0)
    arom_table = jax.random.normal(ks[12], (NUM_AROM, DIM_H), dtype=jnp.float32).at[0].set(0.0)
    chir_table = jax.random.normal(ks[13], (NUM_CHIR, DIM_H), dtype=jnp.float32).at[0].set(0.0)
    return {
        "node_inds": node_inds,
        "adj_mat_inds": adj_mat_inds,
        "init_hydrogens": init_hydrogens,
        "init_charge": init_charge,
        "init_is_in_ring": init_is_in_ring,
        "init_is_aromatic": init_is_aromatic,
        "init_chirality": init_chirality,
        "n_table": n_table,
        "e_table": e_table,
        "h_table": h_table,
        "charge_table": charge_table,
        "ring_table": ring_table,
        "arom_table": arom_table,
        "chir_table": chir_table,
    }


def reference(node_inds, adj_mat_inds, init_hydrogens, init_charge, init_is_in_ring,
              init_is_aromatic, init_chirality, n_table, e_table, h_table,
              charge_table, ring_table, arom_table, chir_table):
    # GraphNNParent.calculate_embeddings (share_embed=False, embed_hs=True)
    node_embeddings = jnp.take(n_table, node_inds, axis=0)
    edge_embeddings = jnp.take(e_table, adj_mat_inds, axis=0)
    hydrogen_embeddings = jnp.take(h_table, init_hydrogens, axis=0)
    charge_embeddings = jnp.take(charge_table, init_charge, axis=0)
    is_in_ring_embeddings = jnp.take(ring_table, init_is_in_ring, axis=0)
    is_aromatic_embeddings = jnp.take(arom_table, init_is_aromatic, axis=0)
    chirality_embeddings = jnp.take(chir_table, init_chirality, axis=0)
    node_embeddings = (node_embeddings + hydrogen_embeddings + charge_embeddings
                       + is_in_ring_embeddings + is_aromatic_embeddings + chirality_embeddings)
    edge_embeddings = edge_embeddings.reshape(-1, MAX_NODES, MAX_NODES, DIM_H, DIM_K)
    return (node_embeddings, edge_embeddings)

if __name__ == "__main__":
    import jax
    _d = setup_inputs()
    print(jax.jit(kernel)(*tuple(_d.values())))

</pallas_src>

<mosaic_0001>
#map = affine_map<(d0, d1) -> (0)>
#map1 = affine_map<(d0, d1) -> (0, 0)>
module attributes {stable_mosaic.version = 14 : i64} {
  func.func @_node_sc(%arg0: i32, %arg1: i32, %arg2: memref<3072xi32, #tpu.memory_space<hbm>>, %arg3: memref<48x256xf32, #tpu.memory_space<hbm>>, %arg4: memref<512x256xf32, #tpu.memory_space<hbm>>, %arg5: memref<96xi32, #tpu.memory_space<vmem>>, %arg6: memref<96x256xf32, #tpu.memory_space<vmem>>, %arg7: memref<16x256xf32, #tpu.memory_space<vmem>>, %arg8: memref<!tpu.dma_semaphore, #tpu.memory_space<semaphore_mem>>) attributes {dimension_semantics = [#tpu.dimension_semantics<core_parallel>, #tpu.dimension_semantics<subcore_parallel>], iteration_bounds = array<i64: 2, 16>, scalar_prefetch = 0 : i64, scratch_operands = 4 : i64, tpu.core_type = #tpu.core_type<sc_vector_subcore>, window_params = [{transform_indices = #map}, {transform_indices = #map1}, {transform_indices = #map1}]} {
    %mul3A = arith.constant 2 : i32
    %mul3A_0 = arith.muli %arg1, %mul3A : i32
    %add3A = arith.addi %mul3A_0, %arg0 : i32
    %mul3A_1 = arith.constant 16 : i32
    %mul3A_2 = arith.muli %add3A, %mul3A_1 : i32
    %mul3A_3 = arith.constant 6 : i32
    %mul3A_4 = arith.muli %mul3A_2, %mul3A_3 : i32
    "tpu.region"() ({
      %run_scoped3A = tpu.sem_alloc : memref<!tpu.dma_semaphore, #tpu.memory_space<semaphore_mem>>
      %dma_start3A_13 = tpu.memref_slice %arg2[%mul3A_4] : memref<3072xi32, #tpu.memory_space<hbm>> -> memref<96xi32, #tpu.memory_space<hbm>>
      %dma_start3A_14 = tpu.memref_slice %arg2[%mul3A_4] : memref<3072xi32, #tpu.memory_space<hbm>> -> memref<96xi32, #tpu.memory_space<hbm>>
      tpu.enqueue_dma source(%dma_start3A_14 : memref<96xi32, #tpu.memory_space<hbm>>) target(%arg5 : memref<96xi32, #tpu.memory_space<vmem>>) target_semaphore(%run_scoped3A : memref<!tpu.dma_semaphore, #tpu.memory_space<semaphore_mem>>)
      %dma_wait3A_15 = tpu.memref_slice %arg2[%mul3A_4] : memref<3072xi32, #tpu.memory_space<hbm>> -> memref<96xi32, #tpu.memory_space<hbm>>
      %dma_wait3A_16 = tpu.memref_slice %arg2[%mul3A_4] : memref<3072xi32, #tpu.memory_space<hbm>> -> memref<96xi32, #tpu.memory_space<hbm>>
      tpu.wait_dma2 semaphore(%run_scoped3A : memref<!tpu.dma_semaphore, #tpu.memory_space<semaphore_mem>>) src(%dma_wait3A_16 : memref<96xi32, #tpu.memory_space<hbm>>) dst(%arg5 : memref<96xi32, #tpu.memory_space<vmem>>)
      tpu.yield
    }) : () -> ()
    %dma_start3A = arith.constant 0 : i32
    %dma_start3A_5 = arith.constant 0 : i32
    %dma_start3A_6 = tpu.memref_slice %arg3[%dma_start3A, %dma_start3A_5] : memref<48x256xf32, #tpu.memory_space<hbm>> -> memref<48x256xf32, #tpu.memory_space<hbm>>
    tpu.enqueue_indirect_dma source(%dma_start3A_6 : memref<48x256xf32, #tpu.memory_space<hbm>>) target(%arg6 : memref<96x256xf32, #tpu.memory_space<vmem>>) offsets(%arg5 : memref<96xi32, #tpu.memory_space<vmem>>) semaphore(%arg8 : memref<!tpu.dma_semaphore, #tpu.memory_space<semaphore_mem>>)
    %dma_wait3A = arith.constant 0 : i32
    %dma_wait3A_7 = arith.constant 0 : i32
    %dma_wait3A_8 = tpu.memref_slice %arg3[%dma_wait3A, %dma_wait3A_7] : memref<48x256xf32, #tpu.memory_space<hbm>> -> memref<48x256xf32, #tpu.memory_space<hbm>>
    tpu.wait_indirect_dma semaphore(%arg8 : memref<!tpu.dma_semaphore, #tpu.memory_space<semaphore_mem>>) src(%dma_wait3A_8 : memref<48x256xf32, #tpu.memory_space<hbm>>) dst(%arg6 : memref<96x256xf32, #tpu.memory_space<vmem>>)
    %scan3A = arith.constant 0 : i32
    %scan3A_9 = arith.constant 16 : i32
    %scan3A_10 = arith.addi %scan3A, %scan3A_9 : i32
    %scan3A_11 = arith.constant 1 : i32
    scf.for %scan3A_13 = %scan3A to %scan3A_10 step %scan3A_11  : i32 {
      %mul3A_14 = arith.constant 6 : i32
      %mul3A_15 = arith.muli %scan3A_13, %mul3A_14 : i32
      %get3A = arith.index_cast %mul3A_15 : i32 to index
      %get3A_16 = arith.constant 0 : index
      %get3A_17 = tpu.vector_load %arg6[%get3A, %get3A_16] {strides = array<i32>} : memref<96x256xf32, #tpu.memory_space<vmem>>, vector<1x16xf32>,
      %get3A_18 = vector.shape_cast %get3A_17 : vector<1x16xf32> to vector<16xf32>
      %mul3A_19 = arith.constant 6 : i32
      %mul3A_20 = arith.muli %scan3A_13, %mul3A_19 : i32
      %add3A_21 = arith.constant 1 : i32
      %add3A_22 = arith.addi %mul3A_20, %add3A_21 : i32
      %get3A_23 = arith.index_cast %add3A_22 : i32 to index
      %get3A_24 = arith.constant 0 : index
      %get3A_25 = tpu.vector_load %arg6[%get3A_23, %get3A_24] {strides = array<i32>} : memref<96x256xf32, #tpu.memory_space<vmem>>, vector<1x16xf32>,
      %get3A_26 = vector.shape_cast %get3A_25 : vector<1x16xf32> to vector<16xf32>
      %add3A_27 = arith.addf %get3A_18, %get3A_26 : vector<16xf32>
      %mul3A_28 = arith.constant 6 : i32
      %mul3A_29 = arith.muli %scan3A_13, %mul3A_28 : i32
      %add3A_30 = arith.constant 2 : i32
      %add3A_31 = arith.addi %mul3A_29, %add3A_30 : i32
      %get3A_32 = arith.index_cast %add3A_31 : i32 to index
      %get3A_33 = arith.constant 0 : index
      %get3A_34 = tpu.vector_load %arg6[%get3A_32, %get3A_33] {strides = array<i32>} : memref<96x256xf32, #tpu.memory_space<vmem>>, vector<1x16xf32>,
      %get3A_35 = vector.shape_cast %get3A_34 : vector<1x16xf32> to vector<16xf32>
      %add3A_36 = arith.addf %add3A_27, %get3A_35 : vector<16xf32>
      %mul3A_37 = arith.constant 6 : i32
      %mul3A_38 = arith.muli %scan3A_13, %mul3A_37 : i32
      %add3A_39 = arith.constant 3 : i32
      %add3A_40 = arith.addi %mul3A_38, %add3A_39 : i32
      %get3A_41 = arith.index_cast %add3A_40 : i32 to index
      %get3A_42 = arith.constant 0 : index
      %get3A_43 = tpu.vector_load %arg6[%get3A_41, %get3A_42] {strides = array<i32>} : memref<96x256xf32, #tpu.memory_space<vmem>>, vector<1x16xf32>,
      %get3A_44 = vector.shape_cast %get3A_43 : vector<1x16xf32> to vector<16xf32>
      %add3A_45 = arith.addf %add3A_36, %get3A_44 : vector<16xf32>
      %mul3A_46 = arith.constant 6 : i32
      %mul3A_47 = arith.muli %scan3A_13, %mul3A_46 : i32
      %add3A_48 = arith.constant 4 : i32
      %add3A_49 = arith.addi %mul3A_47, %add3A_48 : i32
      %get3A_50 = arith.index_cast %add3A_49 : i32 to index
      %get3A_51 = arith.constant 0 : index
      %get3A_52 = tpu.vector_load %arg6[%get3A_50, %get3A_51] {strides = array<i32>} : memref<96x256xf32, #tpu.memory_space<vmem>>, vector<1x16xf32>,
      %get3A_53 = vector.shape_cast %get3A_52 : vector<1x16xf32> to vector<16xf32>
      %add3A_54 = arith.addf %add3A_45, %get3A_53 : vector<16xf32>
      %mul3A_55 = arith.constant 6 : i32
      %mul3A_56 = arith.muli %scan3A_13, %mul3A_55 : i32
      %add3A_57 = arith.constant 5 : i32
      %add3A_58 = arith.addi %mul3A_56, %add3A_57 : i32
      %get3A_59 = arith.index_cast %add3A_58 : i32 to index
      %get3A_60 = arith.constant 0 : index
      %get3A_61 = tpu.vector_load %arg6[%get3A_59, %get3A_60] {strides = array<i32>} : memref<96x256xf32, #tpu.memory_space<vmem>>, vector<1x16xf32>,
      %get3A_62 = vector.shape_cast %get3A_61 : vector<1x16xf32> to vector<16xf32>
      %add3A_63 = arith.addf %add3A_54, %get3A_62 : vector<16xf32>
      %swap3A = arith.index_cast %scan3A_13 : i32 to index
      %swap3A_64 = arith.constant 0 : index
      %swap3A_65 = tpu.vector_load %arg7[%swap3A, %swap3A_64] {strides = array<i32>} : memref<16x256xf32, #tpu.memory_space<vmem>>, vector<1x16xf32>,
      %swap3A_66 = vector.shape_cast %swap3A_65 : vector<1x16xf32> to vector<16xf32>
      %swap3A_67 = vector.shape_cast %add3A_63 : vector<16xf32> to vector<1x16xf32>
      tpu.vector_store %arg7[%swap3A, %swap3A_64], %swap3A_67 {strides = array<i32>} : memref<16x256xf32, #tpu.memory_space<vmem>>, vector<1x16xf32>,
      %mul3A_68 = arith.constant 6 : i32
      %mul3A_69 = arith.muli %scan3A_13, %mul3A_68 : i32
      %get3A_70 = arith.index_cast %mul3A_69 : i32 to index
      %get3A_71 = arith.constant 16 : index
      %get3A_72 = tpu.vector_load %arg6[%get3A_70, %get3A_71] {strides = array<i32>} : memref<96x256xf32, #tpu.memory_space<vmem>>, vector<1x16xf32>,
      %get3A_73 = vector.shape_cast %get3A_72 : vector<1x16xf32> to vector<16xf32>
      %mul3A_74 = arith.constant 6 : i32
      %mul3A_75 = arith.muli %scan3A_13, %mul3A_74 : i32
      %add3A_76 = arith.constant 1 : i32
      %add3A_77 = arith.addi %mul3A_75, %add3A_76 : i32
      %get3A_78 = arith.index_cast %add3A_77 : i32 to index
      %get3A_79 = arith.constant 16 : index
      %get3A_80 = tpu.vector_load %arg6[%get3A_78, %get3A_79] {strides = array<i32>} : memref<96x256xf32, #tpu.memory_space<vmem>>, vector<1x16xf32>,
      %get3A_81 = vector.shape_cast %get3A_80 : vector<1x16xf32> to vector<16xf32>
      %add3A_82 = arith.addf %get3A_73, %get3A_81 : vector<16xf32>
      %mul3A_83 = arith.constant 6 : i32
      %mul3A_84 = arith.muli %scan3A_13, %mul3A_83 : i32
      %add3A_85 = arith.constant 2 : i32
      %add3A_86 = arith.addi %mul3A_84, %add3A_85 : i32
      %get3A_87 = arith.index_cast %add3A_86 : i32 to index
      %get3A_88 = arith.constant 16 : index
      %get3A_89 = tpu.vector_load %arg6[%get3A_87, %get3A_88] {strides = array<i32>} : memref<96x256xf32, #tpu.memory_space<vmem>>, vector<1x16xf32>,
      %get3A_90 = vector.shape_cast %get3A_89 : vector<1x16xf32> to vector<16xf32>
      %add3A_91 = arith.addf %add3A_82, %get3A_90 : vector<16xf32>
      %mul3A_92 = arith.constant 6 : i32
      %mul3A_93 = arith.muli %scan3A_13, %mul3A_92 : i32
      %add3A_94 = arith.constant 3 : i32
      %add3A_95 = arith.addi %mul3A_93, %add3A_94 : i32
      %get3A_96 = arith.index_cast %add3A_95 : i32 to index
      %get3A_97 = arith.constant 16 : index
      %get3A_98 = tpu.vector_load %arg6[%get3A_96, %get3A_97] {strides = array<i32>} : memref<96x256xf32, #tpu.memory_space<vmem>>, vector<1x16xf32>,
      %get3A_99 = vector.shape_cast %get3A_98 : vector<1x16xf32> to vector<16xf32>
      %add3A_100 = arith.addf %add3A_91, %get3A_99 : vector<16xf32>
      %mul3A_101 = arith.constant 6 : i32
      %mul3A_102 = arith.muli %scan3A_13, %mul3A_101 : i32
      %add3A_103 = arith.constant 4 : i32
      %add3A_104 = arith.addi %mul3A_102, %add3A_103 : i32
      %get3A_105 = arith.index_cast %add3A_104 : i32 to index
      %get3A_106 = arith.constant 16 : index
      %get3A_107 = tpu.vector_load %arg6[%get3A_105, %get3A_106] {strides = array<i32>} : memref<96x256xf32, #tpu.memory_space<vmem>>, vector<1x16xf32>,
      %get3A_108 = vector.shape_cast %get3A_107 : vector<1x16xf32> to vector<16xf32>
      %add3A_109 = arith.addf %add3A_100, %get3A_108 : vector<16xf32>
      %mul3A_110 = arith.constant 6 : i32
      %mul3A_111 = arith.muli %scan3A_13, %mul3A_110 : i32
      %add3A_112 = arith.constant 5 : i32
      %add3A_113 = arith.addi %mul3A_111, %add3A_112 : i32
      %get3A_114 = arith.index_cast %add3A_113 : i32 to index
      %get3A_115 = arith.constant 16 : index
      %get3A_116 = tpu.vector_load %arg6[%get3A_114, %get3A_115] {strides = array<i32>} : memref<96x256xf32, #tpu.memory_space<vmem>>, vector<1x16xf32>,
      %get3A_117 = vector.shape_cast %get3A_116 : vector<1x16xf32> to vector<16xf32>
      %add3A_118 = arith.addf %add3A_109, %get3A_117 : vector<16xf32>
      %swap3A_119 = arith.index_cast %scan3A_13 : i32 to index
      %swap3A_120 = arith.constant 16 : index
      %swap3A_121 = tpu.vector_load %arg7[%swap3A_119, %swap3A_120] {strides = array<i32>} : memref<16x256xf32, #tpu.memory_space<vmem>>, vector<1x16xf32>,
      %swap3A_122 = vector.shape_cast %swap3A_121 : vector<1x16xf32> to vector<16xf32>
      %swap3A_123 = vector.shape_cast %add3A_118 : vector<16xf32> to vector<1x16xf32>
      tpu.vector_store %arg7[%swap3A_119, %swap3A_120], %swap3A_123 {strides = array<i32>} : memref<16x256xf32, #tpu.memory_space<vmem>>, vector<1x16xf32>,
      %mul3A_124 = arith.constant 6 : i32
      %mul3A_125 = arith.muli %scan3A_13, %mul3A_124 : i32
      %get3A_126 = arith.index_cast %mul3A_125 : i32 to index
      %get3A_127 = arith.constant 32 : index
      %get3A_128 = tpu.vector_load %arg6[%get3A_126, %get3A_127] {strides = array<i32>} : memref<96x256xf32, #tpu.memory_space<vmem>>, vector<1x16xf32>,
      %get3A_129 = vector.shape_cast %get3A_128 : vector<1x16xf32> to vector<16xf32>
      %mul3A_130 = arith.constant 6 : i32
      %mul3A_131 = arith.muli %scan3A_13, %mul3A_130 : i32
      %add3A_132 = arith.constant 1 : i32
      %add3A_133 = arith.addi %mul3A_131, %add3A_132 : i32
      %get3A_134 = arith.index_cast %add3A_133 : i32 to index
      %get3A_135 = arith.constant 32 : index
      %get3A_136 = tpu.vector_load %arg6[%get3A_134, %get3A_135] {strides = array<i32>} : memref<96x256xf32, #tpu.memory_space<vmem>>, vector<1x16xf32>,
      %get3A_137 = vector.shape_cast %get3A_136 : vector<1x16xf32> to vector<16xf32>
      %add3A_138 = arith.addf %get3A_129, %get3A_137 : vector<16xf32>
      %mul3A_139 = arith.constant 6 : i32
      %mul3A_140 = arith.muli %scan3A_13, %mul3A_139 : i32
      %add3A_141 = arith.constant 2 : i32
      %add3A_142 = arith.addi %mul3A_140, %add3A_141 : i32
      %get3A_143 = arith.index_cast %add3A_142 : i32 to index
      %get3A_144 = arith.constant 32 : index
      %get3A_145 = tpu.vector_load %arg6[%get3A_143, %get3A_144] {strides = array<i32>} : memref<96x256xf32, #tpu.memory_space<vmem>>, vector<1x16xf32>,
      %get3A_146 = vector.shape_cast %get3A_145 : vector<1x16xf32> to vector<16xf32>
      %add3A_147 = arith.addf %add3A_138, %get3A_146 : vector<16xf32>
      %mul3A_148 = arith.constant 6 : i32
      %mul3A_149 = arith.muli %scan3A_13, %mul3A_148 : i32
      %add3A_150 = arith.constant 3 : i32
      %add3A_151 = arith.addi %mul3A_149, %add3A_150 : i32
      %get3A_152 = arith.index_cast %add3A_151 : i32 to index
      %get3A_153 = arith.constant 32 : index
      %get3A_154 = tpu.vector_load %arg6[%get3A_152, %get3A_153] {strides = array<i32>} : memref<96x256xf32, #tpu.memory_space<vmem>>, vector<1x16xf32>,
      %get3A_155 = vector.shape_cast %get3A_154 : vector<1x16xf32> to vector<16xf32>
      %add3A_156 = arith.addf %add3A_147, %get3A_155 : vector<16xf32>
      %mul3A_157 = arith.constant 6 : i32
      %mul3A_158 = arith.muli %scan3A_13, %mul3A_157 : i32
      %add3A_159 = arith.constant 4 : i32
      %add3A_160 = arith.addi %mul3A_158, %add3A_159 : i32
      %get3A_161 = arith.index_cast %add3A_160 : i32 to index
      %get3A_162 = arith.constant 32 : index
      %get3A_163 = tpu.vector_load %arg6[%get3A_161, %get3A_162] {strides = array<i32>} : memref<96x256xf32, #tpu.memory_space<vmem>>, vector<1x16xf32>,
      %get3A_164 = vector.shape_cast %get3A_163 : vector<1x16xf32> to vector<16xf32>
      %add3A_165 = arith.addf %add3A_156, %get3A_164 : vector<16xf32>
      %mul3A_166 = arith.constant 6 : i32
      %mul3A_167 = arith.muli %scan3A_13, %mul3A_166 : i32
      %add3A_168 = arith.constant 5 : i32
      %add3A_169 = arith.addi %mul3A_167, %add3A_168 : i32
      %get3A_170 = arith.index_cast %add3A_169 : i32 to index
      %get3A_171 = arith.constant 32 : index
      %get3A_172 = tpu.vector_load %arg6[%get3A_170, %get3A_171] {strides = array<i32>} : memref<96x256xf32, #tpu.memory_space<vmem>>, vector<1x16xf32>,
      %get3A_173 = vector.shape_cast %get3A_172 : vector<1x16xf32> to vector<16xf32>
      %add3A_174 = arith.addf %add3A_165, %get3A_173 : vector<16xf32>
      %swap3A_175 = arith.index_cast %scan3A_13 : i32 to index
      %swap3A_176 = arith.constant 32 : index
      %swap3A_177 = tpu.vector_load %arg7[%swap3A_175, %swap3A_176] {strides = array<i32>} : memref<16x256xf32, #tpu.memory_space<vmem>>, vector<1x16xf32>,
      %swap3A_178 = vector.shape_cast %swap3A_177 : vector<1x16xf32> to vector<16xf32>
      %swap3A_179 = vector.shape_cast %add3A_174 : vector<16xf32> to vector<1x16xf32>
      tpu.vector_store %arg7[%swap3A_175, %swap3A_176], %swap3A_179 {strides = array<i32>} : memref<16x256xf32, #tpu.memory_space<vmem>>, vector<1x16xf32>,
      %mul3A_180 = arith.constant 6 : i32
      %mul3A_181 = arith.muli %scan3A_13, %mul3A_180 : i32
      %get3A_182 = arith.index_cast %mul3A_181 : i32 to index
      %get3A_183 = arith.constant 48 : index
      %get3A_184 = tpu.vector_load %arg6[%get3A_182, %get3A_183] {strides = array<i32>} : memref<96x256xf32, #tpu.memory_space<vmem>>, vector<1x16xf32>,
      %get3A_185 = vector.shape_cast %get3A_184 : vector<1x16xf32> to vector<16xf32>
      %mul3A_186 = arith.constant 6 : i32
      %mul3A_187 = arith.muli %scan3A_13, %mul3A_186 : i32
      %add3A_188 = arith.constant 1 : i32
      %add3A_189 = arith.addi %mul3A_187, %add3A_188 : i32
      %get3A_190 = arith.index_cast %add3A_189 : i32 to index
      %get3A_191 = arith.constant 48 : index
      %get3A_192 = tpu.vector_load %arg6[%get3A_190, %get3A_191] {strides = array<i32>} : memref<96x256xf32, #tpu.memory_space<vmem>>, vector<1x16xf32>,
      %get3A_193 = vector.shape_cast %get3A_192 : vector<1x16xf32> to vector<16xf32>
      %add3A_194 = arith.addf %get3A_185, %get3A_193 : vector<16xf32>
      %mul3A_195 = arith.constant 6 : i32
      %mul3A_196 = arith.muli %scan3A_13, %mul3A_195 : i32
      %add3A_197 = arith.constant 2 : i32
      %add3A_198 = arith.addi %mul3A_196, %add3A_197 : i32
      %get3A_199 = arith.index_cast %add3A_198 : i32 to index
      %get3A_200 = arith.constant 48 : index
      %get3A_201 = tpu.vector_load %arg6[%get3A_199, %get3A_200] {strides = array<i32>} : memref<96x256xf32, #tpu.memory_space<vmem>>, vector<1x16xf32>,
      %get3A_202 = vector.shape_cast %get3A_201 : vector<1x16xf32> to vector<16xf32>
      %add3A_203 = arith.addf %add3A_194, %get3A_202 : vector<16xf32>
      %mul3A_204 = arith.constant 6 : i32
      %mul3A_205 = arith.muli %scan3A_13, %mul3A_204 : i32
      %add3A_206 = arith.constant 3 : i32
      %add3A_207 = arith.addi %mul3A_205, %add3A_206 : i32
      %get3A_208 = arith.index_cast %add3A_207 : i32 to index
      %get3A_209 = arith.constant 48 : index
      %get3A_210 = tpu.vector_load %arg6[%get3A_208, %get3A_209] {strides = array<i32>} : memref<96x256xf32, #tpu.memory_space<vmem>>, vector<1x16xf32>,
      %get3A_211 = vector.shape_cast %get3A_210 : vector<1x16xf32> to vector<16xf32>
      %add3A_212 = arith.addf %add3A_203, %get3A_211 : vector<16xf32>
      %mul3A_213 = arith.constant 6 : i32
      %mul3A_214 = arith.muli %scan3A_13, %mul3A_213 : i32
      %add3A_215 = arith.constant 4 : i32
      %add3A_216 = arith.addi %mul3A_214, %add3A_215 : i32
      %get3A_217 = arith.index_cast %add3A_216 : i32 to index
      %get3A_218 = arith.constant 48 : index
      %get3A_219 = tpu.vector_load %arg6[%get3A_217, %get3A_218] {strides = array<i32>} : memref<96x256xf32, #tpu.memory_space<vmem>>, vector<1x16xf32>,
      %get3A_220 = vector.shape_cast %get3A_219 : vector<1x16xf32> to vector<16xf32>
      %add3A_221 = arith.addf %add3A_212, %get3A_220 : vector<16xf32>
      %mul3A_222 = arith.constant 6 : i32
      %mul3A_223 = arith.muli %scan3A_13, %mul3A_222 : i32
      %add3A_224 = arith.constant 5 : i32
      %add3A_225 = arith.addi %mul3A_223, %add3A_224 : i32
      %get3A_226 = arith.index_cast %add3A_225 : i32 to index
      %get3A_227 = arith.constant 48 : index
      %get3A_228 = tpu.vector_load %arg6[%get3A_226, %get3A_227] {strides = array<i32>} : memref<96x256xf32, #tpu.memory_space<vmem>>, vector<1x16xf32>,
      %get3A_229 = vector.shape_cast %get3A_228 : vector<1x16xf32> to vector<16xf32>
      %add3A_230 = arith.addf %add3A_221, %get3A_229 : vector<16xf32>
      %swap3A_231 = arith.index_cast %scan3A_13 : i32 to index
      %swap3A_232 = arith.constant 48 : index
      %swap3A_233 = tpu.vector_load %arg7[%swap3A_231, %swap3A_232] {strides = array<i32>} : memref<16x256xf32, #tpu.memory_space<vmem>>, vector<1x16xf32>,
      %swap3A_234 = vector.shape_cast %swap3A_233 : vector<1x16xf32> to vector<16xf32>
      %swap3A_235 = vector.shape_cast %add3A_230 : vector<16xf32> to vector<1x16xf32>
      tpu.vector_store %arg7[%swap3A_231, %swap3A_232], %swap3A_235 {strides = array<i32>} : memref<16x256xf32, #tpu.memory_space<vmem>>, vector<1x16xf32>,
      %mul3A_236 = arith.constant 6 : i32
      %mul3A_237 = arith.muli %scan3A_13, %mul3A_236 : i32
      %get3A_238 = arith.index_cast %mul3A_237 : i32 to index
      %get3A_239 = arith.constant 64 : index
      %get3A_240 = tpu.vector_load %arg6[%get3A_238, %get3A_239] {strides = array<i32>} : memref<96x256xf32, #tpu.memory_space<vmem>>, vector<1x16xf32>,
      %get3A_241 = vector.shape_cast %get3A_240 : vector<1x16xf32> to vector<16xf32>
      %mul3A_242 = arith.constant 6 : i32
      %mul3A_243 = arith.muli %scan3A_13, %mul3A_242 : i32
      %add3A_244 = arith.constant 1 : i32
      %add3A_245 = arith.addi %mul3A_243, %add3A_244 : i32
      %get3A_246 = arith.index_cast %add3A_245 : i32 to index
      %get3A_247 = arith.constant 64 : index
      %get3A_248 = tpu.vector_load %arg6[%get3A_246, %get3A_247] {strides = array<i32>} : memref<96x256xf32, #tpu.memory_space<vmem>>, vector<1x16xf32>,
      %get3A_249 = vector.shape_cast %get3A_248 : vector<1x16xf32> to vector<16xf32>
      %add3A_250 = arith.addf %get3A_241, %get3A_249 : vector<16xf32>
      %mul3A_251 = arith.constant 6 : i32
      %mul3A_252 = arith.muli %scan3A_13, %mul3A_251 : i32
      %add3A_253 = arith.constant 2 : i32
      %add3A_254 = arith.addi %mul3A_252, %add3A_253 : i32
      %get3A_255 = arith.index_cast %add3A_254 : i32 to index
      %get3A_256 = arith.constant 64 : index
      %get3A_257 = tpu.vector_load %arg6[%get3A_255, %get3A_256] {strides = array<i32>} : memref<96x256xf32, #tpu.memory_space<vmem>>, vector<1x16xf32>,
      %get3A_258 = vector.shape_cast %get3A_257 : vector<1x16xf32> to vector<16xf32>
      %add3A_259 = arith.addf %add3A_250, %get3A_258 : vector<16xf32>
      %mul3A_260 = arith.constant 6 : i32
      %mul3A_261 = arith.muli %scan3A_13, %mul3A_260 : i32
      %add3A_262 = arith.constant 3 : i32
      %add3A_263 = arith.addi %mul3A_261, %add3A_262 : i32
      %get3A_264 = arith.index_cast %add3A_263 : i32 to index
      %get3A_265 = arith.constant 64 : index
      %get3A_266 = tpu.vector_load %arg6[%get3A_264, %get3A_265] {strides = array<i32>} : memref<96x256xf32, #tpu.memory_space<vmem>>, vector<1x16xf32>,
      %get3A_267 = vector.shape_cast %get3A_266 : vector<1x16xf32> to vector<16xf32>
      %add3A_268 = arith.addf %add3A_259, %get3A_267 : vector<16xf32>
      %mul3A_269 = arith.constant 6 : i32
      %mul3A_270 = arith.muli %scan3A_13, %mul3A_269 : i32
      %add3A_271 = arith.constant 4 : i32
      %add3A_272 = arith.addi %mul3A_270, %add3A_271 : i32
      %get3A_273 = arith.index_cast %add3A_272 : i32 to index
      %get3A_274 = arith.constant 64 : index
      %get3A_275 = tpu.vector_load %arg6[%get3A_273, %get3A_274] {strides = array<i32>} : memref<96x256xf32, #tpu.memory_space<vmem>>, vector<1x16xf32>,
      %get3A_276 = vector.shape_cast %get3A_275 : vector<1x16xf32> to vector<16xf32>
      %add3A_277 = arith.addf %add3A_268, %get3A_276 : vector<16xf32>
      %mul3A_278 = arith.constant 6 : i32
      %mul3A_279 = arith.muli %scan3A_13, %mul3A_278 : i32
      %add3A_280 = arith.constant 5 : i32
      %add3A_281 = arith.addi %mul3A_279, %add3A_280 : i32
      %get3A_282 = arith.index_cast %add3A_281 : i32 to index
      %get3A_283 = arith.constant 64 : index
      %get3A_284 = tpu.vector_load %arg6[%get3A_282, %get3A_283] {strides = array<i32>} : memref<96x256xf32, #tpu.memory_space<vmem>>, vector<1x16xf32>,
      %get3A_285 = vector.shape_cast %get3A_284 : vector<1x16xf32> to vector<16xf32>
      %add3A_286 = arith.addf %add3A_277, %get3A_285 : vector<16xf32>
      %swap3A_287 = arith.index_cast %scan3A_13 : i32 to index
      %swap3A_288 = arith.constant 64 : index
      %swap3A_289 = tpu.vector_load %arg7[%swap3A_287, %swap3A_288] {strides = array<i32>} : memref<16x256xf32, #tpu.memory_space<vmem>>, vector<1x16xf32>,
      %swap3A_290 = vector.shape_cast %swap3A_289 : vector<1x16xf32> to vector<16xf32>
      %swap3A_291 = vector.shape_cast %add3A_286 : vector<16xf32> to vector<1x16xf32>
      tpu.vector_store %arg7[%swap3A_287, %swap3A_288], %swap3A_291 {strides = array<i32>} : memref<16x256xf32, #tpu.memory_space<vmem>>, vector<1x16xf32>,
      %mul3A_292 = arith.constant 6 : i32
      %mul3A_293 = arith.muli %scan3A_13, %mul3A_292 : i32
      %get3A_294 = arith.index_cast %mul3A_293 : i32 to index
      %get3A_295 = arith.constant 80 : index
      %get3A_296 = tpu.vector_load %arg6[%get3A_294, %get3A_295] {strides = array<i32>} : memref<96x256xf32, #tpu.memory_space<vmem>>, vector<1x16xf32>,
      %get3A_297 = vector.shape_cast %get3A_296 : vector<1x16xf32> to vector<16xf32>
      %mul3A_298 = arith.constant 6 : i32
      %mul3A_299 = arith.muli %scan3A_13, %mul3A_298 : i32
      %add3A_300 = arith.constant 1 : i32
      %add3A_301 = arith.addi %mul3A_299, %add3A_300 : i32
      %get3A_302 = arith.index_cast %add3A_301 : i32 to index
      %get3A_303 = arith.constant 80 : index
      %get3A_304 = tpu.vector_load %arg6[%get3A_302, %get3A_303] {strides = array<i32>} : memref<96x256xf32, #tpu.memory_space<vmem>>, vector<1x16xf32>,
      %get3A_305 = vector.shape_cast %get3A_304 : vector<1x16xf32> to vector<16xf32>
      %add3A_306 = arith.addf %get3A_297, %get3A_305 : vector<16xf32>
      %mul3A_307 = arith.constant 6 : i32
      %mul3A_308 = arith.muli %scan3A_13, %mul3A_307 : i32
      %add3A_309 = arith.constant 2 : i32
      %add3A_310 = arith.addi %mul3A_308, %add3A_309 : i32
      %get3A_311 = arith.index_cast %add3A_310 : i32 to index
      %get3A_312 = arith.constant 80 : index
      %get3A_313 = tpu.vector_load %arg6[%get3A_311, %get3A_312] {strides = array<i32>} : memref<96x256xf32, #tpu.memory_space<vmem>>, vector<1x16xf32>,
      %get3A_314 = vector.shape_cast %get3A_313 : vector<1x16xf32> to vector<16xf32>
      %add3A_315 = arith.addf %add3A_306, %get3A_314 : vector<16xf32>
      %mul3A_316 = arith.constant 6 : i32
      %mul3A_317 = arith.muli %scan3A_13, %mul3A_316 : i32
      %add3A_318 = arith.constant 3 : i32
      %add3A_319 = arith.addi %mul3A_317, %add3A_318 : i32
      %get3A_320 = arith.index_cast %add3A_319 : i32 to index
      %get3A_321 = arith.constant 80 : index
      %get3A_322 = tpu.vector_load %arg6[%get3A_320, %get3A_321] {strides = array<i32>} : memref<96x256xf32, #tpu.memory_space<vmem>>, vector<1x16xf32>,
      %get3A_323 = vector.shape_cast %get3A_322 : vector<1x16xf32> to vector<16xf32>
      %add3A_324 = arith.addf %add3A_315, %get3A_323 : vector<16xf32>
      %mul3A_325 = arith.constant 6 : i32
      %mul3A_326 = arith.muli %scan3A_13, %mul3A_325 : i32
      %add3A_327 = arith.constant 4 : i32
      %add3A_328 = arith.addi %mul3A_326, %add3A_327 : i32
      %get3A_329 = arith.index_cast %add3A_328 : i32 to index
      %get3A_330 = arith.constant 80 : index
      %get3A_331 = tpu.vector_load %arg6[%get3A_329, %get3A_330] {strides = array<i32>} : memref<96x256xf32, #tpu.memory_space<vmem>>, vector<1x16xf32>,
      %get3A_332 = vector.shape_cast %get3A_331 : vector<1x16xf32> to vector<16xf32>
      %add3A_333 = arith.addf %add3A_324, %get3A_332 : vector<16xf32>
      %mul3A_334 = arith.constant 6 : i32
      %mul3A_335 = arith.muli %scan3A_13, %mul3A_334 : i32
      %add3A_336 = arith.constant 5 : i32
      %add3A_337 = arith.addi %mul3A_335, %add3A_336 : i32
      %get3A_338 = arith.index_cast %add3A_337 : i32 to index
      %get3A_339 = arith.constant 80 : index
      %get3A_340 = tpu.vector_load %arg6[%get3A_338, %get3A_339] {strides = array<i32>} : memref<96x256xf32, #tpu.memory_space<vmem>>, vector<1x16xf32>,
      %get3A_341 = vector.shape_cast %get3A_340 : vector<1x16xf32> to vector<16xf32>
      %add3A_342 = arith.addf %add3A_333, %get3A_341 : vector<16xf32>
      %swap3A_343 = arith.index_cast %scan3A_13 : i32 to index
      %swap3A_344 = arith.constant 80 : index
      %swap3A_345 = tpu.vector_load %arg7[%swap3A_343, %swap3A_344] {strides = array<i32>} : memref<16x256xf32, #tpu.memory_space<vmem>>, vector<1x16xf32>,
      %swap3A_346 = vector.shape_cast %swap3A_345 : vector<1x16xf32> to vector<16xf32>
      %swap3A_347 = vector.shape_cast %add3A_342 : vector<16xf32> to vector<1x16xf32>
      tpu.vector_store %arg7[%swap3A_343, %swap3A_344], %swap3A_347 {strides = array<i32>} : memref<16x256xf32, #tpu.memory_space<vmem>>, vector<1x16xf32>,
      %mul3A_348 = arith.constant 6 : i32
      %mul3A_349 = arith.muli %scan3A_13, %mul3A_348 : i32
      %get3A_350 = arith.index_cast %mul3A_349 : i32 to index
      %get3A_351 = arith.constant 96 : index
      %get3A_352 = tpu.vector_load %arg6[%get3A_350, %get3A_351] {strides = array<i32>} : memref<96x256xf32, #tpu.memory_space<vmem>>, vector<1x16xf32>,
      %get3A_353 = vector.shape_cast %get3A_352 : vector<1x16xf32> to vector<16xf32>
      %mul3A_354 = arith.constant 6 : i32
      %mul3A_355 = arith.muli %scan3A_13, %mul3A_354 : i32
      %add3A_356 = arith.constant 1 : i32
      %add3A_357 = arith.addi %mul3A_355, %add3A_356 : i32
      %get3A_358 = arith.index_cast %add3A_357 : i32 to index
      %get3A_359 = arith.constant 96 : index
      %get3A_360 = tpu.vector_load %arg6[%get3A_358, %get3A_359] {strides = array<i32>} : memref<96x256xf32, #tpu.memory_space<vmem>>, vector<1x16xf32>,
      %get3A_361 = vector.shape_cast %get3A_360 : vector<1x16xf32> to vector<16xf32>
      %add3A_362 = arith.addf %get3A_353, %get3A_361 : vector<16xf32>
      %mul3A_363 = arith.constant 6 : i32
      %mul3A_364 = arith.muli %scan3A_13, %mul3A_363 : i32
      %add3A_365 = arith.constant 2 : i32
      %add3A_366 = arith.addi %mul3A_364, %add3A_365 : i32
      %get3A_367 = arith.index_cast %add3A_366 : i32 to index
      %get3A_368 = arith.constant 96 : index
      %get3A_369 = tpu.vector_load %arg6[%get3A_367, %get3A_368] {strides = array<i32>} : memref<96x256xf32, #tpu.memory_space<vmem>>, vector<1x16xf32>,
      %get3A_370 = vector.shape_cast %get3A_369 : vector<1x16xf32> to vector<16xf32>
      %add3A_371 = arith.addf %add3A_362, %get3A_370 : vector<16xf32>
      %mul3A_372 = arith.constant 6 : i32
      %mul3A_373 = arith.muli %scan3A_13, %mul3A_372 : i32
      %add3A_374 = arith.constant 3 : i32
      %add3A_375 = arith.addi %mul3A_373, %add3A_374 : i32
      %get3A_376 = arith.index_cast %add3A_375 : i32 to index
      %get3A_377 = arith.constant 96 : index
      %get3A_378 = tpu.vector_load %arg6[%get3A_376, %get3A_377] {strides = array<i32>} : memref<96x256xf32, #tpu.memory_space<vmem>>, vector<1x16xf32>,
      %get3A_379 = vector.shape_cast %get3A_378 : vector<1x16xf32> to vector<16xf32>
      %add3A_380 = arith.addf %add3A_371, %get3A_379 : vector<16xf32>
      %mul3A_381 = arith.constant 6 : i32
      %mul3A_382 = arith.muli %scan3A_13, %mul3A_381 : i32
      %add3A_383 = arith.constant 4 : i32
      %add3A_384 = arith.addi %mul3A_382, %add3A_383 : i32
      %get3A_385 = arith.index_cast %add3A_384 : i32 to index
      %get3A_386 = arith.constant 96 : index
      %get3A_387 = tpu.vector_load %arg6[%get3A_385, %get3A_386] {strides = array<i32>} : memref<96x256xf32, #tpu.memory_space<vmem>>, vector<1x16xf32>,
      %get3A_388 = vector.shape_cast %get3A_387 : vector<1x16xf32> to vector<16xf32>
      %add3A_389 = arith.addf %add3A_380, %get3A_388 : vector<16xf32>
      %mul3A_390 = arith.constant 6 : i32
      %mul3A_391 = arith.muli %scan3A_13, %mul3A_390 : i32
      %add3A_392 = arith.constant 5 : i32
      %add3A_393 = arith.addi %mul3A_391, %add3A_392 : i32
      %get3A_394 = arith.index_cast %add3A_393 : i32 to index
      %get3A_395 = arith.constant 96 : index
      %get3A_396 = tpu.vector_load %arg6[%get3A_394, %get3A_395] {strides = array<i32>} : memref<96x256xf32, #tpu.memory_space<vmem>>, vector<1x16xf32>,
      %get3A_397 = vector.shape_cast %get3A_396 : vector<1x16xf32> to vector<16xf32>
      %add3A_398 = arith.addf %add3A_389, %get3A_397 : vector<16xf32>
      %swap3A_399 = arith.index_cast %scan3A_13 : i32 to index
      %swap3A_400 = arith.constant 96 : index
      %swap3A_401 = tpu.vector_load %arg7[%swap3A_399, %swap3A_400] {strides = array<i32>} : memref<16x256xf32, #tpu.memory_space<vmem>>, vector<1x16xf32>,
      %swap3A_402 = vector.shape_cast %swap3A_401 : vector<1x16xf32> to vector<16xf32>
      %swap3A_403 = vector.shape_cast %add3A_398 : vector<16xf32> to vector<1x16xf32>
      tpu.vector_store %arg7[%swap3A_399, %swap3A_400], %swap3A_403 {strides = array<i32>} : memref<16x256xf32, #tpu.memory_space<vmem>>, vector<1x16xf32>,
      %mul3A_404 = arith.constant 6 : i32
      %mul3A_405 = arith.muli %scan3A_13, %mul3A_404 : i32
      %get3A_406 = arith.index_cast %mul3A_405 : i32 to index
      %get3A_407 = arith.constant 112 : index
      %get3A_408 = tpu.vector_load %arg6[%get3A_406, %get3A_407] {strides = array<i32>} : memref<96x256xf32, #tpu.memory_space<vmem>>, vector<1x16xf32>,
      %get3A_409 = vector.shape_cast %get3A_408 : vector<1x16xf32> to vector<16xf32>
      %mul3A_410 = arith.constant 6 : i32
      %mul3A_411 = arith.muli %scan3A_13, %mul3A_410 : i32
      %add3A_412 = arith.constant 1 : i32
      %add3A_413 = arith.addi %mul3A_411, %add3A_412 : i32
      %get3A_414 = arith.index_cast %add3A_413 : i32 to index
      %get3A_415 = arith.constant 112 : index
      %get3A_416 = tpu.vector_load %arg6[%get3A_414, %get3A_415] {strides = array<i32>} : memref<96x256xf32, #tpu.memory_space<vmem>>, vector<1x16xf32>,
      %get3A_417 = vector.shape_cast %get3A_416 : vector<1x16xf32> to vector<16xf32>
      %add3A_418 = arith.addf %get3A_409, %get3A_417 : vector<16xf32>
      %mul3A_419 = arith.constant 6 : i32
      %mul3A_420 = arith.muli %scan3A_13, %mul3A_419 : i32
      %add3A_421 = arith.constant 2 : i32
      %add3A_422 = arith.addi %mul3A_420, %add3A_421 : i32
      %get3A_423 = arith.index_cast %add3A_422 : i32 to index
      %get3A_424 = arith.constant 112 : index
      %get3A_425 = tpu.vector_load %arg6[%get3A_423, %get3A_424] {strides = array<i32>} : memref<96x256xf32, #tpu.memory_space<vmem>>, vector<1x16xf32>,
      %get3A_426 = vector.shape_cast %get3A_425 : vector<1x16xf32> to vector<16xf32>
      %add3A_427 = arith.addf %add3A_418, %get3A_426 : vector<16xf32>
      %mul3A_428 = arith.constant 6 : i32
      %mul3A_429 = arith.muli %scan3A_13, %mul3A_428 : i32
      %add3A_430 = arith.constant 3 : i32
      %add3A_431 = arith.addi %mul3A_429, %add3A_430 : i32
      %get3A_432 = arith.index_cast %add3A_431 : i32 to index
      %get3A_433 = arith.constant 112 : index
      %get3A_434 = tpu.vector_load %arg6[%get3A_432, %get3A_433] {strides = array<i32>} : memref<96x256xf32, #tpu.memory_space<vmem>>, vector<1x16xf32>,
      %get3A_435 = vector.shape_cast %get3A_434 : vector<1x16xf32> to vector<16xf32>
      %add3A_436 = arith.addf %add3A_427, %get3A_435 : vector<16xf32>
      %mul3A_437 = arith.constant 6 : i32
      %mul3A_438 = arith.muli %scan3A_13, %mul3A_437 : i32
      %add3A_439 = arith.constant 4 : i32
      %add3A_440 = arith.addi %mul3A_438, %add3A_439 : i32
      %get3A_441 = arith.index_cast %add3A_440 : i32 to index
      %get3A_442 = arith.constant 112 : index
      %get3A_443 = tpu.vector_load %arg6[%get3A_441, %get3A_442] {strides = array<i32>} : memref<96x256xf32, #tpu.memory_space<vmem>>, vector<1x16xf32>,
      %get3A_444 = vector.shape_cast %get3A_443 : vector<1x16xf32> to vector<16xf32>
      %add3A_445 = arith.addf %add3A_436, %get3A_444 : vector<16xf32>
      %mul3A_446 = arith.constant 6 : i32
      %mul3A_447 = arith.muli %scan3A_13, %mul3A_446 : i32
      %add3A_448 = arith.constant 5 : i32
      %add3A_449 = arith.addi %mul3A_447, %add3A_448 : i32
      %get3A_450 = arith.index_cast %add3A_449 : i32 to index
      %get3A_451 = arith.constant 112 : index
      %get3A_452 = tpu.vector_load %arg6[%get3A_450, %get3A_451] {strides = array<i32>} : memref<96x256xf32, #tpu.memory_space<vmem>>, vector<1x16xf32>,
      %get3A_453 = vector.shape_cast %get3A_452 : vector<1x16xf32> to vector<16xf32>
      %add3A_454 = arith.addf %add3A_445, %get3A_453 : vector<16xf32>
      %swap3A_455 = arith.index_cast %scan3A_13 : i32 to index
      %swap3A_456 = arith.constant 112 : index
      %swap3A_457 = tpu.vector_load %arg7[%swap3A_455, %swap3A_456] {strides = array<i32>} : memref<16x256xf32, #tpu.memory_space<vmem>>, vector<1x16xf32>,
      %swap3A_458 = vector.shape_cast %swap3A_457 : vector<1x16xf32> to vector<16xf32>
      %swap3A_459 = vector.shape_cast %add3A_454 : vector<16xf32> to vector<1x16xf32>
      tpu.vector_store %arg7[%swap3A_455, %swap3A_456], %swap3A_459 {strides = array<i32>} : memref<16x256xf32, #tpu.memory_space<vmem>>, vector<1x16xf32>,
      %mul3A_460 = arith.constant 6 : i32
      %mul3A_461 = arith.muli %scan3A_13, %mul3A_460 : i32
      %get3A_462 = arith.index_cast %mul3A_461 : i32 to index
      %get3A_463 = arith.constant 128 : index
      %get3A_464 = tpu.vector_load %arg6[%get3A_462, %get3A_463] {strides = array<i32>} : memref<96x256xf32, #tpu.memory_space<vmem>>, vector<1x16xf32>,
      %get3A_465 = vector.shape_cast %get3A_464 : vector<1x16xf32> to vector<16xf32>
      %mul3A_466 = arith.constant 6 : i32
      %mul3A_467 = arith.muli %scan3A_13, %mul3A_466 : i32
      %add3A_468 = arith.constant 1 : i32
      %add3A_469 = arith.addi %mul3A_467, %add3A_468 : i32
      %get3A_470 = arith.index_cast %add3A_469 : i32 to index
      %get3A_471 = arith.constant 128 : index
      %get3A_472 = tpu.vector_load %arg6[%get3A_470, %get3A_471] {strides = array<i32>} : memref<96x256xf32, #tpu.memory_space<vmem>>, vector<1x16xf32>,
      %get3A_473 = vector.shape_cast %get3A_472 : vector<1x16xf32> to vector<16xf32>
      %add3A_474 = arith.addf %get3A_465, %get3A_473 : vector<16xf32>
      %mul3A_475 = arith.constant 6 : i32
      %mul3A_476 = arith.muli %scan3A_13, %mul3A_475 : i32
      %add3A_477 = arith.constant 2 : i32
      %add3A_478 = arith.addi %mul3A_476, %add3A_477 : i32
      %get3A_479 = arith.index_cast %add3A_478 : i32 to index
      %get3A_480 = arith.constant 128 : index
      %get3A_481 = tpu.vector_load %arg6[%get3A_479, %get3A_480] {strides = array<i32>} : memref<96x256xf32, #tpu.memory_space<vmem>>, vector<1x16xf32>,
      %get3A_482 = vector.shape_cast %get3A_481 : vector<1x16xf32> to vector<16xf32>
      %add3A_483 = arith.addf %add3A_474, %get3A_482 : vector<16xf32>
      %mul3A_484 = arith.constant 6 : i32
      %mul3A_485 = arith.muli %scan3A_13, %mul3A_484 : i32
      %add3A_486 = arith.constant 3 : i32
      %add3A_487 = arith.addi %mul3A_485, %add3A_486 : i32
      %get3A_488 = arith.index_cast %add3A_487 : i32 to index
      %get3A_489 = arith.constant 128 : index
      %get3A_490 = tpu.vector_load %arg6[%get3A_488, %get3A_489] {strides = array<i32>} : memref<96x256xf32, #tpu.memory_space<vmem>>, vector<1x16xf32>,
      %get3A_491 = vector.shape_cast %get3A_490 : vector<1x16xf32> to vector<16xf32>
      %add3A_492 = arith.addf %add3A_483, %get3A_491 : vector<16xf32>
      %mul3A_493 = arith.constant 6 : i32
      %mul3A_494 = arith.muli %scan3A_13, %mul3A_493 : i32
      %add3A_495 = arith.constant 4 : i32
      %add3A_496 = arith.addi %mul3A_494, %add3A_495 : i32
      %get3A_497 = arith.index_cast %add3A_496 : i32 to index
      %get3A_498 = arith.constant 128 : index
      %get3A_499 = tpu.vector_load %arg6[%get3A_497, %get3A_498] {strides = array<i32>} : memref<96x256xf32, #tpu.memory_space<vmem>>, vector<1x16xf32>,
      %get3A_500 = vector.shape_cast %get3A_499 : vector<1x16xf32> to vector<16xf32>
      %add3A_501 = arith.addf %add3A_492, %get3A_500 : vector<16xf32>
      %mul3A_502 = arith.constant 6 : i32
      %mul3A_503 = arith.muli %scan3A_13, %mul3A_502 : i32
      %add3A_504 = arith.constant 5 : i32
      %add3A_505 = arith.addi %mul3A_503, %add3A_504 : i32
      %get3A_506 = arith.index_cast %add3A_505 : i32 to index
      %get3A_507 = arith.constant 128 : index
      %get3A_508 = tpu.vector_load %arg6[%get3A_506, %get3A_507] {strides = array<i32>} : memref<96x256xf32, #tpu.memory_space<vmem>>, vector<1x16xf32>,
      %get3A_509 = vector.shape_cast %get3A_508 : vector<1x16xf32> to vector<16xf32>
      %add3A_510 = arith.addf %add3A_501, %get3A_509 : vector<16xf32>
      %swap3A_511 = arith.index_cast %scan3A_13 : i32 to index
      %swap3A_512 = arith.constant 128 : index
      %swap3A_513 = tpu.vector_load %arg7[%swap3A_511, %swap3A_512] {strides = array<i32>} : memref<16x256xf32, #tpu.memory_space<vmem>>, vector<1x16xf32>,
      %swap3A_514 = vector.shape_cast %swap3A_513 : vector<1x16xf32> to vector<16xf32>
      %swap3A_515 = vector.shape_cast %add3A_510 : vector<16xf32> to vector<1x16xf32>
      tpu.vector_store %arg7[%swap3A_511, %swap3A_512], %swap3A_515 {strides = array<i32>} : memref<16x256xf32, #tpu.memory_space<vmem>>, vector<1x16xf32>,
      %mul3A_516 = arith.constant 6 : i32
      %mul3A_517 = arith.muli %scan3A_13, %mul3A_516 : i32
      %get3A_518 = arith.index_cast %mul3A_517 : i32 to index
      %get3A_519 = arith.constant 144 : index
      %get3A_520 = tpu.vector_load %arg6[%get3A_518, %get3A_519] {strides = array<i32>} : memref<96x256xf32, #tpu.memory_space<vmem>>, vector<1x16xf32>,
      %get3A_521 = vector.shape_cast %get3A_520 : vector<1x16xf32> to vector<16xf32>
      %mul3A_522 = arith.constant 6 : i32
      %mul3A_523 = arith.muli %scan3A_13, %mul3A_522 : i32
      %add3A_524 = arith.constant 1 : i32
      %add3A_525 = arith.addi %mul3A_523, %add3A_524 : i32
      %get3A_526 = arith.index_cast %add3A_525 : i32 to index
      %get3A_527 = arith.constant 144 : index
      %get3A_528 = tpu.vector_load %arg6[%get3A_526, %get3A_527] {strides = array<i32>} : memref<96x256xf32, #tpu.memory_space<vmem>>, vector<1x16xf32>,
      %get3A_529 = vector.shape_cast %get3A_528 : vector<1x16xf32> to vector<16xf32>
      %add3A_530 = arith.addf %get3A_521, %get3A_529 : vector<16xf32>
      %mul3A_531 = arith.constant 6 : i32
      %mul3A_532 = arith.muli %scan3A_13, %mul3A_531 : i32
      %add3A_533 = arith.constant 2 : i32
      %add3A_534 = arith.addi %mul3A_532, %add3A_533 : i32
      %get3A_535 = arith.index_cast %add3A_534 : i32 to index
      %get3A_536 = arith.constant 144 : index
      %get3A_537 = tpu.vector_load %arg6[%get3A_535, %get3A_536] {strides = array<i32>} : memref<96x256xf32, #tpu.memory_space<vmem>>, vector<1x16xf32>,
      %get3A_538 = vector.shape_cast %get3A_537 : vector<1x16xf32> to vector<16xf32>
      %add3A_539 = arith.addf %add3A_530, %get3A_538 : vector<16xf32>
      %mul3A_540 = arith.constant 6 : i32
      %mul3A_541 = arith.muli %scan3A_13, %mul3A_540 : i32
      %add3A_542 = arith.constant 3 : i32
      %add3A_543 = arith.addi %mul3A_541, %add3A_542 : i32
      %get3A_544 = arith.index_cast %add3A_543 : i32 to index
      %get3A_545 = arith.constant 144 : index
      %get3A_546 = tpu.vector_load %arg6[%get3A_544, %get3A_545] {strides = array<i32>} : memref<96x256xf32, #tpu.memory_space<vmem>>, vector<1x16xf32>,
      %get3A_547 = vector.shape_cast %get3A_546 : vector<1x16xf32> to vector<16xf32>
      %add3A_548 = arith.addf %add3A_539, %get3A_547 : vector<16xf32>
      %mul3A_549 = arith.constant 6 : i32
      %mul3A_550 = arith.muli %scan3A_13, %mul3A_549 : i32
      %add3A_551 = arith.constant 4 : i32
      %add3A_552 = arith.addi %mul3A_550, %add3A_551 : i32
      %get3A_553 = arith.index_cast %add3A_552 : i32 to index
      %get3A_554 = arith.constant 144 : index
      %get3A_555 = tpu.vector_load %arg6[%get3A_553, %get3A_554] {strides = array<i32>} : memref<96x256xf32, #tpu.memory_space<vmem>>, vector<1x16xf32>,
      %get3A_556 = vector.shape_cast %get3A_555 : vector<1x16xf32> to vector<16xf32>
      %add3A_557 = arith.addf %add3A_548, %get3A_556 : vector<16xf32>
      %mul3A_558 = arith.constant 6 : i32
      %mul3A_559 = arith.muli %scan3A_13, %mul3A_558 : i32
      %add3A_560 = arith.constant 5 : i32
      %add3A_561 = arith.addi %mul3A_559, %add3A_560 : i32
      %get3A_562 = arith.index_cast %add3A_561 : i32 to index
      %get3A_563 = arith.constant 144 : index
      %get3A_564 = tpu.vector_load %arg6[%get3A_562, %get3A_563] {strides = array<i32>} : memref<96x256xf32, #tpu.memory_space<vmem>>, vector<1x16xf32>,
      %get3A_565 = vector.shape_cast %get3A_564 : vector<1x16xf32> to vector<16xf32>
      %add3A_566 = arith.addf %add3A_557, %get3A_565 : vector<16xf32>
      %swap3A_567 = arith.index_cast %scan3A_13 : i32 to index
      %swap3A_568 = arith.constant 144 : index
      %swap3A_569 = tpu.vector_load %arg7[%swap3A_567, %swap3A_568] {strides = array<i32>} : memref<16x256xf32, #tpu.memory_space<vmem>>, vector<1x16xf32>,
      %swap3A_570 = vector.shape_cast %swap3A_569 : vector<1x16xf32> to vector<16xf32>
      %swap3A_571 = vector.shape_cast %add3A_566 : vector<16xf32> to vector<1x16xf32>
      tpu.vector_store %arg7[%swap3A_567, %swap3A_568], %swap3A_571 {strides = array<i32>} : memref<16x256xf32, #tpu.memory_space<vmem>>, vector<1x16xf32>,
      %mul3A_572 = arith.constant 6 : i32
      %mul3A_573 = arith.muli %scan3A_13, %mul3A_572 : i32
      %get3A_574 = arith.index_cast %mul3A_573 : i32 to index
      %get3A_575 = arith.constant 160 : index
      %get3A_576 = tpu.vector_load %arg6[%get3A_574, %get3A_575] {strides = array<i32>} : memref<96x256xf32, #tpu.memory_space<vmem>>, vector<1x16xf32>,
      %get3A_577 = vector.shape_cast %get3A_576 : vector<1x16xf32> to vector<16xf32>
      %mul3A_578 = arith.constant 6 : i32
      %mul3A_579 = arith.muli %scan3A_13, %mul3A_578 : i32
      %add3A_580 = arith.constant 1 : i32
      %add3A_581 = arith.addi %mul3A_579, %add3A_580 : i32
      %get3A_582 = arith.index_cast %add3A_581 : i32 to index
      %get3A_583 = arith.constant 160 : index
      %get3A_584 = tpu.vector_load %arg6[%get3A_582, %get3A_583] {strides = array<i32>} : memref<96x256xf32, #tpu.memory_space<vmem>>, vector<1x16xf32>,
      %get3A_585 = vector.shape_cast %get3A_584 : vector<1x16xf32> to vector<16xf32>
      %add3A_586 = arith.addf %get3A_577, %get3A_585 : vector<16xf32>
      %mul3A_587 = arith.constant 6 : i32
      %mul3A_588 = arith.muli %scan3A_13, %mul3A_587 : i32
      %add3A_589 = arith.constant 2 : i32
      %add3A_590 = arith.addi %mul3A_588, %add3A_589 : i32
      %get3A_591 = arith.index_cast %add3A_590 : i32 to index
      %get3A_592 = arith.constant 160 : index
      %get3A_593 = tpu.vector_load %arg6[%get3A_591, %get3A_592] {strides = array<i32>} : memref<96x256xf32, #tpu.memory_space<vmem>>, vector<1x16xf32>,
      %get3A_594 = vector.shape_cast %get3A_593 : vector<1x16xf32> to vector<16xf32>
      %add3A_595 = arith.addf %add3A_586, %get3A_594 : vector<16xf32>
      %mul3A_596 = arith.constant 6 : i32
      %mul3A_597 = arith.muli %scan3A_13, %mul3A_596 : i32
      %add3A_598 = arith.constant 3 : i32
      %add3A_599 = arith.addi %mul3A_597, %add3A_598 : i32
      %get3A_600 = arith.index_cast %add3A_599 : i32 to index
      %get3A_601 = arith.constant 160 : index
      %get3A_602 = tpu.vector_load %arg6[%get3A_600, %get3A_601] {strides = array<i32>} : memref<96x256xf32, #tpu.memory_space<vmem>>, vector<1x16xf32>,
      %get3A_603 = vector.shape_cast %get3A_602 : vector<1x16xf32> to vector<16xf32>
      %add3A_604 = arith.addf %add3A_595, %get3A_603 : vector<16xf32>
      %mul3A_605 = arith.constant 6 : i32
      %mul3A_606 = arith.muli %scan3A_13, %mul3A_605 : i32
      %add3A_607 = arith.constant 4 : i32
      %add3A_608 = arith.addi %mul3A_606, %add3A_607 : i32
      %get3A_609 = arith.index_cast %add3A_608 : i32 to index
      %get3A_610 = arith.constant 160 : index
      %get3A_611 = tpu.vector_load %arg6[%get3A_609, %get3A_610] {strides = array<i32>} : memref<96x256xf32, #tpu.memory_space<vmem>>, vector<1x16xf32>,
      %get3A_612 = vector.shape_cast %get3A_611 : vector<1x16xf32> to vector<16xf32>
      %add3A_613 = arith.addf %add3A_604, %get3A_612 : vector<16xf32>
      %mul3A_614 = arith.constant 6 : i32
      %mul3A_615 = arith.muli %scan3A_13, %mul3A_614 : i32
      %add3A_616 = arith.constant 5 : i32
      %add3A_617 = arith.addi %mul3A_615, %add3A_616 : i32
      %get3A_618 = arith.index_cast %add3A_617 : i32 to index
      %get3A_619 = arith.constant 160 : index
      %get3A_620 = tpu.vector_load %arg6[%get3A_618, %get3A_619] {strides = array<i32>} : memref<96x256xf32, #tpu.memory_space<vmem>>, vector<1x16xf32>,
      %get3A_621 = vector.shape_cast %get3A_620 : vector<1x16xf32> to vector<16xf32>
      %add3A_622 = arith.addf %add3A_613, %get3A_621 : vector<16xf32>
      %swap3A_623 = arith.index_cast %scan3A_13 : i32 to index
      %swap3A_624 = arith.constant 160 : index
      %swap3A_625 = tpu.vector_load %arg7[%swap3A_623, %swap3A_624] {strides = array<i32>} : memref<16x256xf32, #tpu.memory_space<vmem>>, vector<1x16xf32>,
      %swap3A_626 = vector.shape_cast %swap3A_625 : vector<1x16xf32> to vector<16xf32>
      %swap3A_627 = vector.shape_cast %add3A_622 : vector<16xf32> to vector<1x16xf32>
      tpu.vector_store %arg7[%swap3A_623, %swap3A_624], %swap3A_627 {strides = array<i32>} : memref<16x256xf32, #tpu.memory_space<vmem>>, vector<1x16xf32>,
      %mul3A_628 = arith.constant 6 : i32
      %mul3A_629 = arith.muli %scan3A_13, %mul3A_628 : i32
      %get3A_630 = arith.index_cast %mul3A_629 : i32 to index
      %get3A_631 = arith.constant 176 : index
      %get3A_632 = tpu.vector_load %arg6[%get3A_630, %get3A_631] {strides = array<i32>} : memref<96x256xf32, #tpu.memory_space<vmem>>, vector<1x16xf32>,
      %get3A_633 = vector.shape_cast %get3A_632 : vector<1x16xf32> to vector<16xf32>
      %mul3A_634 = arith.constant 6 : i32
      %mul3A_635 = arith.muli %scan3A_13, %mul3A_634 : i32
      %add3A_636 = arith.constant 1 : i32
      %add3A_637 = arith.addi %mul3A_635, %add3A_636 : i32
      %get3A_638 = arith.index_cast %add3A_637 : i32 to index
      %get3A_639 = arith.constant 176 : index
      %get3A_640 = tpu.vector_load %arg6[%get3A_638, %get3A_639] {strides = array<i32>} : memref<96x256xf32, #tpu.memory_space<vmem>>, vector<1x16xf32>,
      %get3A_641 = vector.shape_cast %get3A_640 : vector<1x16xf32> to vector<16xf32>
      %add3A_642 = arith.addf %get3A_633, %get3A_641 : vector<16xf32>
      %mul3A_643 = arith.constant 6 : i32
      %mul3A_644 = arith.muli %scan3A_13, %mul3A_643 : i32
      %add3A_645 = arith.constant 2 : i32
      %add3A_646 = arith.addi %mul3A_644, %add3A_645 : i32
      %get3A_647 = arith.index_cast %add3A_646 : i32 to index
      %get3A_648 = arith.constant 176 : index
      %get3A_649 = tpu.vector_load %arg6[%get3A_647, %get3A_648] {strides = array<i32>} : memref<96x256xf32, #tpu.memory_space<vmem>>, vector<1x16xf32>,
      %get3A_650 = vector.shape_cast %get3A_649 : vector<1x16xf32> to vector<16xf32>
      %add3A_651 = arith.addf %add3A_642, %get3A_650 : vector<16xf32>
      %mul3A_652 = arith.constant 6 : i32
      %mul3A_653 = arith.muli %scan3A_13, %mul3A_652 : i32
      %add3A_654 = arith.constant 3 : i32
      %add3A_655 = arith.addi %mul3A_653, %add3A_654 : i32
      %get3A_656 = arith.index_cast %add3A_655 : i32 to index
      %get3A_657 = arith.constant 176 : index
      %get3A_658 = tpu.vector_load %arg6[%get3A_656, %get3A_657] {strides = array<i32>} : memref<96x256xf32, #tpu.memory_space<vmem>>, vector<1x16xf32>,
      %get3A_659 = vector.shape_cast %get3A_658 : vector<1x16xf32> to vector<16xf32>
      %add3A_660 = arith.addf %add3A_651, %get3A_659 : vector<16xf32>
      %mul3A_661 = arith.constant 6 : i32
      %mul3A_662 = arith.muli %scan3A_13, %mul3A_661 : i32
      %add3A_663 = arith.constant 4 : i32
      %add3A_664 = arith.addi %mul3A_662, %add3A_663 : i32
      %get3A_665 = arith.index_cast %add3A_664 : i32 to index
      %get3A_666 = arith.constant 176 : index
      %get3A_667 = tpu.vector_load %arg6[%get3A_665, %get3A_666] {strides = array<i32>} : memref<96x256xf32, #tpu.memory_space<vmem>>, vector<1x16xf32>,
      %get3A_668 = vector.shape_cast %get3A_667 : vector<1x16xf32> to vector<16xf32>
      %add3A_669 = arith.addf %add3A_660, %get3A_668 : vector<16xf32>
      %mul3A_670 = arith.constant 6 : i32
      %mul3A_671 = arith.muli %scan3A_13, %mul3A_670 : i32
      %add3A_672 = arith.constant 5 : i32
      %add3A_673 = arith.addi %mul3A_671, %add3A_672 : i32
      %get3A_674 = arith.index_cast %add3A_673 : i32 to index
      %get3A_675 = arith.constant 176 : index
      %get3A_676 = tpu.vector_load %arg6[%get3A_674, %get3A_675] {strides = array<i32>} : memref<96x256xf32, #tpu.memory_space<vmem>>, vector<1x16xf32>,
      %get3A_677 = vector.shape_cast %get3A_676 : vector<1x16xf32> to vector<16xf32>
      %add3A_678 = arith.addf %add3A_669, %get3A_677 : vector<16xf32>
      %swap3A_679 = arith.index_cast %scan3A_13 : i32 to index
      %swap3A_680 = arith.constant 176 : index
      %swap3A_681 = tpu.vector_load %arg7[%swap3A_679, %swap3A_680] {strides = array<i32>} : memref<16x256xf32, #tpu.memory_space<vmem>>, vector<1x16xf32>,
      %swap3A_682 = vector.shape_cast %swap3A_681 : vector<1x16xf32> to vector<16xf32>
      %swap3A_683 = vector.shape_cast %add3A_678 : vector<16xf32> to vector<1x16xf32>
      tpu.vector_store %arg7[%swap3A_679, %swap3A_680], %swap3A_683 {strides = array<i32>} : memref<16x256xf32, #tpu.memory_space<vmem>>, vector<1x16xf32>,
      %mul3A_684 = arith.constant 6 : i32
      %mul3A_685 = arith.muli %scan3A_13, %mul3A_684 : i32
      %get3A_686 = arith.index_cast %mul3A_685 : i32 to index
      %get3A_687 = arith.constant 192 : index
      %get3A_688 = tpu.vector_load %arg6[%get3A_686, %get3A_687] {strides = array<i32>} : memref<96x256xf32, #tpu.memory_space<vmem>>, vector<1x16xf32>,
      %get3A_689 = vector.shape_cast %get3A_688 : vector<1x16xf32> to vector<16xf32>
      %mul3A_690 = arith.constant 6 : i32
      %mul3A_691 = arith.muli %scan3A_13, %mul3A_690 : i32
      %add3A_692 = arith.constant 1 : i32
      %add3A_693 = arith.addi %mul3A_691, %add3A_692 : i32
      %get3A_694 = arith.index_cast %add3A_693 : i32 to index
      %get3A_695 = arith.constant 192 : index
      %get3A_696 = tpu.vector_load %arg6[%get3A_694, %get3A_695] {strides = array<i32>} : memref<96x256xf32, #tpu.memory_space<vmem>>, vector<1x16xf32>,
      %get3A_697 = vector.shape_cast %get3A_696 : vector<1x16xf32> to vector<16xf32>
      %add3A_698 = arith.addf %get3A_689, %get3A_697 : vector<16xf32>
      %mul3A_699 = arith.constant 6 : i32
      %mul3A_700 = arith.muli %scan3A_13, %mul3A_699 : i32
      %add3A_701 = arith.constant 2 : i32
      %add3A_702 = arith.addi %mul3A_700, %add3A_701 : i32
      %get3A_703 = arith.index_cast %add3A_702 : i32 to index
      %get3A_704 = arith.constant 192 : index
      %get3A_705 = tpu.vector_load %arg6[%get3A_703, %get3A_704] {strides = array<i32>} : memref<96x256xf32, #tpu.memory_space<vmem>>, vector<1x16xf32>,
      %get3A_706 = vector.shape_cast %get3A_705 : vector<1x16xf32> to vector<16xf32>
      %add3A_707 = arith.addf %add3A_698, %get3A_706 : vector<16xf32>
      %mul3A_708 = arith.constant 6 : i32
      %mul3A_709 = arith.muli %scan3A_13, %mul3A_708 : i32
      %add3A_710 = arith.constant 3 : i32
      %add3A_711 = arith.addi %mul3A_709, %add3A_710 : i32
      %get3A_712 = arith.index_cast %add3A_711 : i32 to index
      %get3A_713 = arith.constant 192 : index
      %get3A_714 = tpu.vector_load %arg6[%get3A_712, %get3A_713] {strides = array<i32>} : memref<96x256xf32, #tpu.memory_space<vmem>>, vector<1x16xf32>,
      %get3A_715 = vector.shape_cast %get3A_714 : vector<1x16xf32> to vector<16xf32>
      %add3A_716 = arith.addf %add3A_707, %get3A_715 : vector<16xf32>
      %mul3A_717 = arith.constant 6 : i32
      %mul3A_718 = arith.muli %scan3A_13, %mul3A_717 : i32
      %add3A_719 = arith.constant 4 : i32
      %add3A_720 = arith.addi %mul3A_718, %add3A_719 : i32
      %get3A_721 = arith.index_cast %add3A_720 : i32 to index
      %get3A_722 = arith.constant 192 : index
      %get3A_723 = tpu.vector_load %arg6[%get3A_721, %get3A_722] {strides = array<i32>} : memref<96x256xf32, #tpu.memory_space<vmem>>, vector<1x16xf32>,
      %get3A_724 = vector.shape_cast %get3A_723 : vector<1x16xf32> to vector<16xf32>
      %add3A_725 = arith.addf %add3A_716, %get3A_724 : vector<16xf32>
      %mul3A_726 = arith.constant 6 : i32
      %mul3A_727 = arith.muli %scan3A_13, %mul3A_726 : i32
      %add3A_728 = arith.constant 5 : i32
      %add3A_729 = arith.addi %mul3A_727, %add3A_728 : i32
      %get3A_730 = arith.index_cast %add3A_729 : i32 to index
      %get3A_731 = arith.constant 192 : index
      %get3A_732 = tpu.vector_load %arg6[%get3A_730, %get3A_731] {strides = array<i32>} : memref<96x256xf32, #tpu.memory_space<vmem>>, vector<1x16xf32>,
      %get3A_733 = vector.shape_cast %get3A_732 : vector<1x16xf32> to vector<16xf32>
      %add3A_734 = arith.addf %add3A_725, %get3A_733 : vector<16xf32>
      %swap3A_735 = arith.index_cast %scan3A_13 : i32 to index
      %swap3A_736 = arith.constant 192 : index
      %swap3A_737 = tpu.vector_load %arg7[%swap3A_735, %swap3A_736] {strides = array<i32>} : memref<16x256xf32, #tpu.memory_space<vmem>>, vector<1x16xf32>,
      %swap3A_738 = vector.shape_cast %swap3A_737 : vector<1x16xf32> to vector<16xf32>
      %swap3A_739 = vector.shape_cast %add3A_734 : vector<16xf32> to vector<1x16xf32>
      tpu.vector_store %arg7[%swap3A_735, %swap3A_736], %swap3A_739 {strides = array<i32>} : memref<16x256xf32, #tpu.memory_space<vmem>>, vector<1x16xf32>,
      %mul3A_740 = arith.constant 6 : i32
      %mul3A_741 = arith.muli %scan3A_13, %mul3A_740 : i32
      %get3A_742 = arith.index_cast %mul3A_741 : i32 to index
      %get3A_743 = arith.constant 208 : index
      %get3A_744 = tpu.vector_load %arg6[%get3A_742, %get3A_743] {strides = array<i32>} : memref<96x256xf32, #tpu.memory_space<vmem>>, vector<1x16xf32>,
      %get3A_745 = vector.shape_cast %get3A_744 : vector<1x16xf32> to vector<16xf32>
      %mul3A_746 = arith.constant 6 : i32
      %mul3A_747 = arith.muli %scan3A_13, %mul3A_746 : i32
      %add3A_748 = arith.constant 1 : i32
      %add3A_749 = arith.addi %mul3A_747, %add3A_748 : i32
      %get3A_750 = arith.index_cast %add3A_749 : i32 to index
      %get3A_751 = arith.constant 208 : index
      %get3A_752 = tpu.vector_load %arg6[%get3A_750, %get3A_751] {strides = array<i32>} : memref<96x256xf32, #tpu.memory_space<vmem>>, vector<1x16xf32>,
      %get3A_753 = vector.shape_cast %get3A_752 : vector<1x16xf32> to vector<16xf32>
      %add3A_754 = arith.addf %get3A_745, %get3A_753 : vector<16xf32>
      %mul3A_755 = arith.constant 6 : i32
      %mul3A_756 = arith.muli %scan3A_13, %mul3A_755 : i32
      %add3A_757 = arith.constant 2 : i32
      %add3A_758 = arith.addi %mul3A_756, %add3A_757 : i32
      %get3A_759 = arith.index_cast %add3A_758 : i32 to index
      %get3A_760 = arith.constant 208 : index
      %get3A_761 = tpu.vector_load %arg6[%get3A_759, %get3A_760] {strides = array<i32>} : memref<96x256xf32, #tpu.memory_space<vmem>>, vector<1x16xf32>,
      %get3A_762 = vector.shape_cast %get3A_761 : vector<1x16xf32> to vector<16xf32>
      %add3A_763 = arith.addf %add3A_754, %get3A_762 : vector<16xf32>
      %mul3A_764 = arith.constant 6 : i32
      %mul3A_765 = arith.muli %scan3A_13, %mul3A_764 : i32
      %add3A_766 = arith.constant 3 : i32
      %add3A_767 = arith.addi %mul3A_765, %add3A_766 : i32
      %get3A_768 = arith.index_cast %add3A_767 : i32 to index
      %get3A_769 = arith.constant 208 : index
      %get3A_770 = tpu.vector_load %arg6[%get3A_768, %get3A_769] {strides = array<i32>} : memref<96x256xf32, #tpu.memory_space<vmem>>, vector<1x16xf32>,
      %get3A_771 = vector.shape_cast %get3A_770 : vector<1x16xf32> to vector<16xf32>
      %add3A_772 = arith.addf %add3A_763, %get3A_771 : vector<16xf32>
      %mul3A_773 = arith.constant 6 : i32
      %mul3A_774 = arith.muli %scan3A_13, %mul3A_773 : i32
      %add3A_775 = arith.constant 4 : i32
      %add3A_776 = arith.addi %mul3A_774, %add3A_775 : i32
      %get3A_777 = arith.index_cast %add3A_776 : i32 to index
      %get3A_778 = arith.constant 208 : index
      %get3A_779 = tpu.vector_load %arg6[%get3A_777, %get3A_778] {strides = array<i32>} : memref<96x256xf32, #tpu.memory_space<vmem>>, vector<1x16xf32>,
      %get3A_780 = vector.shape_cast %get3A_779 : vector<1x16xf32> to vector<16xf32>
      %add3A_781 = arith.addf %add3A_772, %get3A_780 : vector<16xf32>
      %mul3A_782 = arith.constant 6 : i32
      %mul3A_783 = arith.muli %scan3A_13, %mul3A_782 : i32
      %add3A_784 = arith.constant 5 : i32
      %add3A_785 = arith.addi %mul3A_783, %add3A_784 : i32
      %get3A_786 = arith.index_cast %add3A_785 : i32 to index
      %get3A_787 = arith.constant 208 : index
      %get3A_788 = tpu.vector_load %arg6[%get3A_786, %get3A_787] {strides = array<i32>} : memref<96x256xf32, #tpu.memory_space<vmem>>, vector<1x16xf32>,
      %get3A_789 = vector.shape_cast %get3A_788 : vector<1x16xf32> to vector<16xf32>
      %add3A_790 = arith.addf %add3A_781, %get3A_789 : vector<16xf32>
      %swap3A_791 = arith.index_cast %scan3A_13 : i32 to index
      %swap3A_792 = arith.constant 208 : index
      %swap3A_793 = tpu.vector_load %arg7[%swap3A_791, %swap3A_792] {strides = array<i32>} : memref<16x256xf32, #tpu.memory_space<vmem>>, vector<1x16xf32>,
      %swap3A_794 = vector.shape_cast %swap3A_793 : vector<1x16xf32> to vector<16xf32>
      %swap3A_795 = vector.shape_cast %add3A_790 : vector<16xf32> to vector<1x16xf32>
      tpu.vector_store %arg7[%swap3A_791, %swap3A_792], %swap3A_795 {strides = array<i32>} : memref<16x256xf32, #tpu.memory_space<vmem>>, vector<1x16xf32>,
      %mul3A_796 = arith.constant 6 : i32
      %mul3A_797 = arith.muli %scan3A_13, %mul3A_796 : i32
      %get3A_798 = arith.index_cast %mul3A_797 : i32 to index
      %get3A_799 = arith.constant 224 : index
      %get3A_800 = tpu.vector_load %arg6[%get3A_798, %get3A_799] {strides = array<i32>} : memref<96x256xf32, #tpu.memory_space<vmem>>, vector<1x16xf32>,
      %get3A_801 = vector.shape_cast %get3A_800 : vector<1x16xf32> to vector<16xf32>
      %mul3A_802 = arith.constant 6 : i32
      %mul3A_803 = arith.muli %scan3A_13, %mul3A_802 : i32
      %add3A_804 = arith.constant 1 : i32
      %add3A_805 = arith.addi %mul3A_803, %add3A_804 : i32
      %get3A_806 = arith.index_cast %add3A_805 : i32 to index
      %get3A_807 = arith.constant 224 : index
      %get3A_808 = tpu.vector_load %arg6[%get3A_806, %get3A_807] {strides = array<i32>} : memref<96x256xf32, #tpu.memory_space<vmem>>, vector<1x16xf32>,
      %get3A_809 = vector.shape_cast %get3A_808 : vector<1x16xf32> to vector<16xf32>
      %add3A_810 = arith.addf %get3A_801, %get3A_809 : vector<16xf32>
      %mul3A_811 = arith.constant 6 : i32
      %mul3A_812 = arith.muli %scan3A_13, %mul3A_811 : i32
      %add3A_813 = arith.constant 2 : i32
      %add3A_814 = arith.addi %mul3A_812, %add3A_813 : i32
      %get3A_815 = arith.index_cast %add3A_814 : i32 to index
      %get3A_816 = arith.constant 224 : index
      %get3A_817 = tpu.vector_load %arg6[%get3A_815, %get3A_816] {strides = array<i32>} : memref<96x256xf32, #tpu.memory_space<vmem>>, vector<1x16xf32>,
      %get3A_818 = vector.shape_cast %get3A_817 : vector<1x16xf32> to vector<16xf32>
      %add3A_819 = arith.addf %add3A_810, %get3A_818 : vector<16xf32>
      %mul3A_820 = arith.constant 6 : i32
      %mul3A_821 = arith.muli %scan3A_13, %mul3A_820 : i32
      %add3A_822 = arith.constant 3 : i32
      %add3A_823 = arith.addi %mul3A_821, %add3A_822 : i32
      %get3A_824 = arith.index_cast %add3A_823 : i32 to index
      %get3A_825 = arith.constant 224 : index
      %get3A_826 = tpu.vector_load %arg6[%get3A_824, %get3A_825] {strides = array<i32>} : memref<96x256xf32, #tpu.memory_space<vmem>>, vector<1x16xf32>,
      %get3A_827 = vector.shape_cast %get3A_826 : vector<1x16xf32> to vector<16xf32>
      %add3A_828 = arith.addf %add3A_819, %get3A_827 : vector<16xf32>
      %mul3A_829 = arith.constant 6 : i32
      %mul3A_830 = arith.muli %scan3A_13, %mul3A_829 : i32
      %add3A_831 = arith.constant 4 : i32
      %add3A_832 = arith.addi %mul3A_830, %add3A_831 : i32
      %get3A_833 = arith.index_cast %add3A_832 : i32 to index
      %get3A_834 = arith.constant 224 : index
      %get3A_835 = tpu.vector_load %arg6[%get3A_833, %get3A_834] {strides = array<i32>} : memref<96x256xf32, #tpu.memory_space<vmem>>, vector<1x16xf32>,
      %get3A_836 = vector.shape_cast %get3A_835 : vector<1x16xf32> to vector<16xf32>
      %add3A_837 = arith.addf %add3A_828, %get3A_836 : vector<16xf32>
      %mul3A_838 = arith.constant 6 : i32
      %mul3A_839 = arith.muli %scan3A_13, %mul3A_838 : i32
      %add3A_840 = arith.constant 5 : i32
      %add3A_841 = arith.addi %mul3A_839, %add3A_840 : i32
      %get3A_842 = arith.index_cast %add3A_841 : i32 to index
      %get3A_843 = arith.constant 224 : index
      %get3A_844 = tpu.vector_load %arg6[%get3A_842, %get3A_843] {strides = array<i32>} : memref<96x256xf32, #tpu.memory_space<vmem>>, vector<1x16xf32>,
      %get3A_845 = vector.shape_cast %get3A_844 : vector<1x16xf32> to vector<16xf32>
      %add3A_846 = arith.addf %add3A_837, %get3A_845 : vector<16xf32>
      %swap3A_847 = arith.index_cast %scan3A_13 : i32 to index
      %swap3A_848 = arith.constant 224 : index
      %swap3A_849 = tpu.vector_load %arg7[%swap3A_847, %swap3A_848] {strides = array<i32>} : memref<16x256xf32, #tpu.memory_space<vmem>>, vector<1x16xf32>,
      %swap3A_850 = vector.shape_cast %swap3A_849 : vector<1x16xf32> to vector<16xf32>
      %swap3A_851 = vector.shape_cast %add3A_846 : vector<16xf32> to vector<1x16xf32>
      tpu.vector_store %arg7[%swap3A_847, %swap3A_848], %swap3A_851 {strides = array<i32>} : memref<16x256xf32, #tpu.memory_space<vmem>>, vector<1x16xf32>,
      %mul3A_852 = arith.constant 6 : i32
      %mul3A_853 = arith.muli %scan3A_13, %mul3A_852 : i32
      %get3A_854 = arith.index_cast %mul3A_853 : i32 to index
      %get3A_855 = arith.constant 240 : index
      %get3A_856 = tpu.vector_load %arg6[%get3A_854, %get3A_855] {strides = array<i32>} : memref<96x256xf32, #tpu.memory_space<vmem>>, vector<1x16xf32>,
      %get3A_857 = vector.shape_cast %get3A_856 : vector<1x16xf32> to vector<16xf32>
      %mul3A_858 = arith.constant 6 : i32
      %mul3A_859 = arith.muli %scan3A_13, %mul3A_858 : i32
      %add3A_860 = arith.constant 1 : i32
      %add3A_861 = arith.addi %mul3A_859, %add3A_860 : i32
      %get3A_862 = arith.index_cast %add3A_861 : i32 to index
      %get3A_863 = arith.constant 240 : index
      %get3A_864 = tpu.vector_load %arg6[%get3A_862, %get3A_863] {strides = array<i32>} : memref<96x256xf32, #tpu.memory_space<vmem>>, vector<1x16xf32>,
      %get3A_865 = vector.shape_cast %get3A_864 : vector<1x16xf32> to vector<16xf32>
      %add3A_866 = arith.addf %get3A_857, %get3A_865 : vector<16xf32>
      %mul3A_867 = arith.constant 6 : i32
      %mul3A_868 = arith.muli %scan3A_13, %mul3A_867 : i32
      %add3A_869 = arith.constant 2 : i32
      %add3A_870 = arith.addi %mul3A_868, %add3A_869 : i32
      %get3A_871 = arith.index_cast %add3A_870 : i32 to index
      %get3A_872 = arith.constant 240 : index
      %get3A_873 = tpu.vector_load %arg6[%get3A_871, %get3A_872] {strides = array<i32>} : memref<96x256xf32, #tpu.memory_space<vmem>>, vector<1x16xf32>,
      %get3A_874 = vector.shape_cast %get3A_873 : vector<1x16xf32> to vector<16xf32>
      %add3A_875 = arith.addf %add3A_866, %get3A_874 : vector<16xf32>
      %mul3A_876 = arith.constant 6 : i32
      %mul3A_877 = arith.muli %scan3A_13, %mul3A_876 : i32
      %add3A_878 = arith.constant 3 : i32
      %add3A_879 = arith.addi %mul3A_877, %add3A_878 : i32
      %get3A_880 = arith.index_cast %add3A_879 : i32 to index
      %get3A_881 = arith.constant 240 : index
      %get3A_882 = tpu.vector_load %arg6[%get3A_880, %get3A_881] {strides = array<i32>} : memref<96x256xf32, #tpu.memory_space<vmem>>, vector<1x16xf32>,
      %get3A_883 = vector.shape_cast %get3A_882 : vector<1x16xf32> to vector<16xf32>
      %add3A_884 = arith.addf %add3A_875, %get3A_883 : vector<16xf32>
      %mul3A_885 = arith.constant 6 : i32
      %mul3A_886 = arith.muli %scan3A_13, %mul3A_885 : i32
      %add3A_887 = arith.constant 4 : i32
      %add3A_888 = arith.addi %mul3A_886, %add3A_887 : i32
      %get3A_889 = arith.index_cast %add3A_888 : i32 to index
      %get3A_890 = arith.constant 240 : index
      %get3A_891 = tpu.vector_load %arg6[%get3A_889, %get3A_890] {strides = array<i32>} : memref<96x256xf32, #tpu.memory_space<vmem>>, vector<1x16xf32>,
      %get3A_892 = vector.shape_cast %get3A_891 : vector<1x16xf32> to vector<16xf32>
      %add3A_893 = arith.addf %add3A_884, %get3A_892 : vector<16xf32>
      %mul3A_894 = arith.constant 6 : i32
      %mul3A_895 = arith.muli %scan3A_13, %mul3A_894 : i32
      %add3A_896 = arith.constant 5 : i32
      %add3A_897 = arith.addi %mul3A_895, %add3A_896 : i32
      %get3A_898 = arith.index_cast %add3A_897 : i32 to index
      %get3A_899 = arith.constant 240 : index
      %get3A_900 = tpu.vector_load %arg6[%get3A_898, %get3A_899] {strides = array<i32>} : memref<96x256xf32, #tpu.memory_space<vmem>>, vector<1x16xf32>,
      %get3A_901 = vector.shape_cast %get3A_900 : vector<1x16xf32> to vector<16xf32>
      %add3A_902 = arith.addf %add3A_893, %get3A_901 : vector<16xf32>
      %swap3A_903 = arith.index_cast %scan3A_13 : i32 to index
      %swap3A_904 = arith.constant 240 : index
      %swap3A_905 = tpu.vector_load %arg7[%swap3A_903, %swap3A_904] {strides = array<i32>} : memref<16x256xf32, #tpu.memory_space<vmem>>, vector<1x16xf32>,
      %swap3A_906 = vector.shape_cast %swap3A_905 : vector<1x16xf32> to vector<16xf32>
      %swap3A_907 = vector.shape_cast %add3A_902 : vector<16xf32> to vector<1x16xf32>
      tpu.vector_store %arg7[%swap3A_903, %swap3A_904], %swap3A_907 {strides = array<i32>} : memref<16x256xf32, #tpu.memory_space<vmem>>, vector<1x16xf32>,
    }
    %scan3A_12 = arith.constant 16 : i32
    "tpu.region"() ({
      %run_scoped3A = tpu.sem_alloc : memref<!tpu.dma_semaphore, #tpu.memory_space<semaphore_mem>>
      %dma_start3A_13 = arith.constant 0 : i32
      %dma_start3A_14 = tpu.memref_slice %arg4[%mul3A_2, %dma_start3A_13] : memref<512x256xf32, #tpu.memory_space<hbm>> -> memref<16x256xf32, #tpu.memory_space<hbm>>
      %dma_start3A_15 = arith.constant 0 : i32
      %dma_start3A_16 = tpu.memref_slice %arg4[%mul3A_2, %dma_start3A_15] : memref<512x256xf32, #tpu.memory_space<hbm>> -> memref<16x256xf32, #tpu.memory_space<hbm>>
      tpu.enqueue_dma source(%arg7 : memref<16x256xf32, #tpu.memory_space<vmem>>) target(%dma_start3A_16 : memref<16x256xf32, #tpu.memory_space<hbm>>) target_semaphore(%run_scoped3A : memref<!tpu.dma_semaphore, #tpu.memory_space<semaphore_mem>>)
      %dma_wait3A_17 = arith.constant 0 : i32
      %dma_wait3A_18 = tpu.memref_slice %arg4[%mul3A_2, %dma_wait3A_17] : memref<512x256xf32, #tpu.memory_space<hbm>> -> memref<16x256xf32, #tpu.memory_space<hbm>>
      %dma_wait3A_19 = arith.constant 0 : i32
      %dma_wait3A_20 = tpu.memref_slice %arg4[%mul3A_2, %dma_wait3A_19] : memref<512x256xf32, #tpu.memory_space<hbm>> -> memref<16x256xf32, #tpu.memory_space<hbm>>
      tpu.wait_dma2 semaphore(%run_scoped3A : memref<!tpu.dma_semaphore, #tpu.memory_space<semaphore_mem>>) src(%arg7 : memref<16x256xf32, #tpu.memory_space<vmem>>) dst(%dma_wait3A_20 : memref<16x256xf32, #tpu.memory_space<hbm>>)
      tpu.yield
    }) : () -> ()
    return
  }
}

module attributes {stable_mosaic.version = 14 : i64} {
  func.func @_edge_body(%arg0: i32, %arg1: memref<1x1x6400xi32, #tpu.memory_space<vmem>>, %arg2: memref<32x128xf32, #tpu.memory_space<vmem>>, %arg3: memref<1x6x32xi32, #tpu.memory_space<vmem>>, %arg4: memref<45x256xf32, #tpu.memory_space<vmem>>, %arg5: memref<6400x128xf32, #tpu.memory_space<vmem>>, %arg6: memref<32x256xf32, #tpu.memory_space<vmem>>) attributes {dimension_semantics = [#tpu.dimension_semantics<arbitrary>], iteration_bounds = array<i64: 64>, scalar_prefetch = 0 : i64, scratch_operands = 0 : i64, tpu.core_type = #tpu.core_type<tc>, window_params = [{transform_indices = @transform_0, window_bounds = array<i64: 1, 1, 6400>}, {pipeline_mode = #tpu.pipeline_mode<synchronous>, transform_indices = @transform_1, window_bounds = array<i64: 32, 128>}, {transform_indices = @transform_2, window_bounds = array<i64: 1, 6, 32>}, {pipeline_mode = #tpu.pipeline_mode<synchronous>, transform_indices = @transform_3, window_bounds = array<i64: 45, 256>}, {transform_indices = @transform_4, window_bounds = array<i64: 6400, 128>}, {transform_indices = @transform_5, window_bounds = array<i64: 32, 256>}]} {
    %get3A = arith.constant 0 : index
    %get3A_0 = arith.constant 0 : index
    %get3A_1 = arith.constant 0 : index
    %get3A_2 = vector.load %arg1[%get3A, %get3A_0, %get3A_1] : memref<1x1x6400xi32, #tpu.memory_space<vmem>>, vector<1x1x6400xi32>
    %get3A_3 = vector.shape_cast %get3A_2 : vector<1x1x6400xi32> to vector<1x6400xi32>
    %iota3A = tpu.iota {dimensions = array<i32: 0>} : vector<32x6400xi32>
    %eq3A = vector.broadcast %get3A_3 : vector<1x6400xi32> to vector<32x6400xi32>
    %eq3A_4 = arith.cmpi eq, %iota3A, %eq3A : vector<32x6400xi32>
    %convert_element_type3A = arith.extui %eq3A_4 : vector<32x6400xi1> to vector<32x6400xi32>
    %convert_element_type3A_5 = arith.sitofp %convert_element_type3A : vector<32x6400xi32> to vector<32x6400xf32>
    %get3A_6 = arith.constant 0 : index
    %get3A_7 = arith.constant 0 : index
    %get3A_8 = vector.load %arg2[%get3A_6, %get3A_7] : memref<32x128xf32, #tpu.memory_space<vmem>>, vector<32x128xf32>
    %dot_general3A = arith.constant dense<0.000000e+00> : vector<6400x128xf32>
    %dot_general3A_9 = tpu.matmul %convert_element_type3A_5, %get3A_8, %dot_general3A {dimension_numbers = #tpu.dot_dimension_numbers<[0], [0], [1], [1], [0, 1, 1, 1], [], []>, transpose_lhs_hint = false} : vector<32x6400xf32>, vector<32x128xf32>, vector<6400x128xf32> -> vector<6400x128xf32>
    %swap3A = arith.constant 0 : index
    %swap3A_10 = arith.constant 0 : index
    %swap3A_11 = vector.load %arg5[%swap3A, %swap3A_10] : memref<6400x128xf32, #tpu.memory_space<vmem>>, vector<6400x128xf32>
    tpu.vector_store %arg5[%swap3A, %swap3A_10], %dot_general3A_9 {strides = array<i32>} : memref<6400x128xf32, #tpu.memory_space<vmem>>, vector<6400x128xf32>,
    %iota3A_12 = tpu.iota {dimensions = array<i32: 0>} : vector<45x32xi32>
    %broadcast_in_dim3A = arith.constant 0.000000e+00 : f32
    %broadcast_in_dim3A_13 = vector.broadcast %broadcast_in_dim3A : f32 to vector<45x32xf32>
    %get3A_14 = arith.constant 0 : index
    %get3A_15 = arith.constant 0 : index
    %get3A_16 = arith.constant 0 : index
    %get3A_17 = vector.load %arg3[%get3A_14, %get3A_15, %get3A_16] : memref<1x6x32xi32, #tpu.memory_space<vmem>>, vector<1x1x32xi32>
    %get3A_18 = vector.shape_cast %get3A_17 : vector<1x1x32xi32> to vector<1x32xi32>
    %eq3A_19 = vector.broadcast %get3A_18 : vector<1x32xi32> to vector<45x32xi32>
    %eq3A_20 = arith.cmpi eq, %iota3A_12, %eq3A_19 : vector<45x32xi32>
    %convert_element_type3A_21 = arith.extui %eq3A_20 : vector<45x32xi1> to vector<45x32xi32>
    %convert_element_type3A_22 = arith.sitofp %convert_element_type3A_21 : vector<45x32xi32> to vector<45x32xf32>
    %add3A = arith.addf %broadcast_in_dim3A_13, %convert_element_type3A_22 : vector<45x32xf32>
    %get3A_23 = arith.constant 0 : index
    %get3A_24 = arith.constant 1 : index
    %get3A_25 = arith.constant 0 : index
    %get3A_26 = vector.load %arg3[%get3A_23, %get3A_24, %get3A_25] : memref<1x6x32xi32, #tpu.memory_space<vmem>>, vector<1x1x32xi32>
    %get3A_27 = vector.shape_cast %get3A_26 : vector<1x1x32xi32> to vector<1x32xi32>
    %eq3A_28 = vector.broadcast %get3A_27 : vector<1x32xi32> to vector<45x32xi32>
    %eq3A_29 = arith.cmpi eq, %iota3A_12, %eq3A_28 : vector<45x32xi32>
    %convert_element_type3A_30 = arith.extui %eq3A_29 : vector<45x32xi1> to vector<45x32xi32>
    %convert_element_type3A_31 = arith.sitofp %convert_element_type3A_30 : vector<45x32xi32> to vector<45x32xf32>
    %add3A_32 = arith.addf %add3A, %convert_element_type3A_31 : vector<45x32xf32>
    %get3A_33 = arith.constant 0 : index
    %get3A_34 = arith.constant 2 : index
    %get3A_35 = arith.constant 0 : index
    %get3A_36 = vector.load %arg3[%get3A_33, %get3A_34, %get3A_35] : memref<1x6x32xi32, #tpu.memory_space<vmem>>, vector<1x1x32xi32>
    %get3A_37 = vector.shape_cast %get3A_36 : vector<1x1x32xi32> to vector<1x32xi32>
    %eq3A_38 = vector.broadcast %get3A_37 : vector<1x32xi32> to vector<45x32xi32>
    %eq3A_39 = arith.cmpi eq, %iota3A_12, %eq3A_38 : vector<45x32xi32>
    %convert_element_type3A_40 = arith.extui %eq3A_39 : vector<45x32xi1> to vector<45x32xi32>
    %convert_element_type3A_41 = arith.sitofp %convert_element_type3A_40 : vector<45x32xi32> to vector<45x32xf32>
    %add3A_42 = arith.addf %add3A_32, %convert_element_type3A_41 : vector<45x32xf32>
    %get3A_43 = arith.constant 0 : index
    %get3A_44 = arith.constant 3 : index
    %get3A_45 = arith.constant 0 : index
    %get3A_46 = vector.load %arg3[%get3A_43, %get3A_44, %get3A_45] : memref<1x6x32xi32, #tpu.memory_space<vmem>>, vector<1x1x32xi32>
    %get3A_47 = vector.shape_cast %get3A_46 : vector<1x1x32xi32> to vector<1x32xi32>
    %eq3A_48 = vector.broadcast %get3A_47 : vector<1x32xi32> to vector<45x32xi32>
    %eq3A_49 = arith.cmpi eq, %iota3A_12, %eq3A_48 : vector<45x32xi32>
    %convert_element_type3A_50 = arith.extui %eq3A_49 : vector<45x32xi1> to vector<45x32xi32>
    %convert_element_type3A_51 = arith.sitofp %convert_element_type3A_50 : vector<45x32xi32> to vector<45x32xf32>
    %add3A_52 = arith.addf %add3A_42, %convert_element_type3A_51 : vector<45x32xf32>
    %get3A_53 = arith.constant 0 : index
    %get3A_54 = arith.constant 4 : index
    %get3A_55 = arith.constant 0 : index
    %get3A_56 = vector.load %arg3[%get3A_53, %get3A_54, %get3A_55] : memref<1x6x32xi32, #tpu.memory_space<vmem>>, vector<1x1x32xi32>
    %get3A_57 = vector.shape_cast %get3A_56 : vector<1x1x32xi32> to vector<1x32xi32>
    %eq3A_58 = vector.broadcast %get3A_57 : vector<1x32xi32> to vector<45x32xi32>
    %eq3A_59 = arith.cmpi eq, %iota3A_12, %eq3A_58 : vector<45x32xi32>
    %convert_element_type3A_60 = arith.extui %eq3A_59 : vector<45x32xi1> to vector<45x32xi32>
    %convert_element_type3A_61 = arith.sitofp %convert_element_type3A_60 : vector<45x32xi32> to vector<45x32xf32>
    %add3A_62 = arith.addf %add3A_52, %convert_element_type3A_61 : vector<45x32xf32>
    %get3A_63 = arith.constant 0 : index
    %get3A_64 = arith.constant 5 : index
    %get3A_65 = arith.constant 0 : index
    %get3A_66 = vector.load %arg3[%get3A_63, %get3A_64, %get3A_65] : memref<1x6x32xi32, #tpu.memory_space<vmem>>, vector<1x1x32xi32>
    %get3A_67 = vector.shape_cast %get3A_66 : vector<1x1x32xi32> to vector<1x32xi32>
    %eq3A_68 = vector.broadcast %get3A_67 : vector<1x32xi32> to vector<45x32xi32>
    %eq3A_69 = arith.cmpi eq, %iota3A_12, %eq3A_68 : vector<45x32xi32>
    %convert_element_type3A_70 = arith.extui %eq3A_69 : vector<45x32xi1> to vector<45x32xi32>
    %convert_element_type3A_71 = arith.sitofp %convert_element_type3A_70 : vector<45x32xi32> to vector<45x32xf32>
    %add3A_72 = arith.addf %add3A_62, %convert_element_type3A_71 : vector<45x32xf32>
    %get3A_73 = arith.constant 0 : index
    %get3A_74 = arith.constant 0 : index
    %get3A_75 = vector.load %arg4[%get3A_73, %get3A_74] : memref<45x256xf32, #tpu.memory_space<vmem>>, vector<45x256xf32>
    %dot_general3A_76 = arith.constant dense<0.000000e+00> : vector<32x256xf32>
    %dot_general3A_77 = tpu.matmul %add3A_72, %get3A_75, %dot_general3A_76 {dimension_numbers = #tpu.dot_dimension_numbers<[0], [0], [1], [1], [0, 1, 1, 1], [], []>, transpose_lhs_hint = false} : vector<45x32xf32>, vector<45x256xf32>, vector<32x256xf32> -> vector<32x256xf32>
    %swap3A_78 = arith.constant 0 : index
    %swap3A_79 = arith.constant 0 : index
    %swap3A_80 = vector.load %arg6[%swap3A_78, %swap3A_79] : memref<32x256xf32, #tpu.memory_space<vmem>>, vector<32x256xf32>
    tpu.vector_store %arg6[%swap3A_78, %swap3A_79], %dot_general3A_77 {strides = array<i32>} : memref<32x256xf32, #tpu.memory_space<vmem>>, vector<32x256xf32>,
    return
  }
  func.func @transform_0(%arg0: i32) -> (i32, i32, i32) {
    %c0_i32 = arith.constant 0 : i32
    %c0_i32_0 = arith.constant 0 : i32
    %c0_i32_1 = arith.constant 0 : i32
    return %arg0, %c0_i32, %c0_i32_0 : i32, i32, i32
  }
  func.func @transform_1(%arg0: i32) -> (i32, i32) {
    %c0_i32 = arith.constant 0 : i32
    %c0_i32_0 = arith.constant 0 : i32
    %c0_i32_1 = arith.constant 0 : i32
    return %c0_i32, %c0_i32_0 : i32, i32
  }
  func.func @transform_2(%arg0: i32) -> (i32, i32, i32) {
    %c0_i32 = arith.constant 0 : i32
    %c0_i32_0 = arith.constant 0 : i32
    %c0_i32_1 = arith.constant 0 : i32
    return %arg0, %c0_i32, %c0_i32_0 : i32, i32, i32
  }
  func.func @transform_3(%arg0: i32) -> (i32, i32) {
    %c0_i32 = arith.constant 0 : i32
    %c0_i32_0 = arith.constant 0 : i32
    %c0_i32_1 = arith.constant 0 : i32
    return %c0_i32, %c0_i32_0 : i32, i32
  }
  func.func @transform_4(%arg0: i32) -> (i32, i32) {
    %c0_i32 = arith.constant 0 : i32
    %c0_i32_0 = arith.constant 0 : i32
    return %arg0, %c0_i32 : i32, i32
  }
  func.func @transform_5(%arg0: i32) -> (i32, i32) {
    %c0_i32 = arith.constant 0 : i32
    %c0_i32_0 = arith.constant 0 : i32
    return %arg0, %c0_i32 : i32, i32
  }
}

</mosaic_0001>

<sc_bundles>
// kernel: kernel.4.cloned.1.call-start
scs
__scs_entry_jumppad:
0x0: {  	(pc) =	sbr.rel $0x88, $3  }
0x1: {  	(tag) =	ssettag $0x0;
	lr =	simm.s32 $0x1  }
0x2: {  	[smem:$0x3F93] =	sst lr;
	_ =	strace $0xD0000000  }
0x3: {  	_ = 	snop  }
0x4: {  	_ = 	snop  }
0x5: {  	_ = 	snop  }
0x6: {  	_ = 	snop  }
0x7: {  	_ = 	snop  }
__scs_overlays_trampoline_lowered:
0x8: {  	[smem:$0x3FA2] =	sst s0  }
0x9: {  	[smem:$0x3FA3] =	sst s1  }
0xa: {  	[smem:$0x3FA4] =	sst s2  }
0xb: {  	[smem:$0x3FA5] =	sst s3  }
0xc: {  	[smem:$0x3FA6] =	sst s4  }
0xd: {  	[smem:$0x3FA7] =	sst s5  }
0xe: {  	[smem:$0x3FA8] =	sst s6  }
0xf: {  	[smem:$0x3FA9] =	sst s7  }
0x10: {  	[smem:$0x3FAA] =	sst s8  }
0x11: {  	[smem:$0x3FAB] =	sst s9;
	s0 =	simm.s32 @!p0 $0x0  }
0x12: {  	s1 =	sld [smem:$0x3F91];
	s0 =	simm.s32 @p0 $0x1  }
0x13: {  	[smem:$0x3FAC] =	sst s0;
	s0 =	simm.s32 @!p1 $0x0  }
0x14: {  	s2 =	sld [smem:$0x3F90];
	s0 =	simm.s32 @p1 $0x1  }
0x15: {  	[smem:$0x3FAD] =	sst s0;
	s0 =	simm.s32 @!p2 $0x0  }
0x16: {  	s3 =	sld [smem:$0x3FDB];
	s0 =	simm.s32 @p2 $0x1  }
0x17: {  	s4 =	simm.s32 $0x1BF5;
	[smem:$0x3FAF] =	sst s0  }
0x18: {  	s0 =	sld [smem:$0x3F92];
	_ =	swait.ge [sflag:s4], $0x0  }
0x19: {  	s7 =	sld [smem:$0x3F93]  }
0x1a: {  	s8 =	sadd.s32 $0xFFFFE003, lr  }
0x1b: {  	s9 =	sadd.s32 $0xFFFFFEF7, lr;
	s5 =	simm.s32 $0xFFFFFFFF;
	p2 =	slt.u32 s8, $0xFFFFF086  }
0x1c: {  	p1 =	slt.u32 s9, $0xF7A;
	s5 =	simm.s32 @!p2 $0x0  }
0x1d: {  	s5 =	simm.s32 @p1 $0x1;
	p0 =	seq.s32 s7, s2  }
0x1e: {  	s7 =	smul.u32 @!p0 $0xF7A, s2;
	p2 =	seq.s32 @!p0 s5, $0x0  }
0x1f: {  	s9 =	smul.u32 $0xF7A, s1;
	s8 =	simm.s32 @!p0 $0x1BF5;
	p2 =	por !p2, p0  }
0x20: {  	[sflag:s8] =	ssyncset.s32 @!p0 $0xFFFFF086;
	s6 =	sadd.s32 @!p0 s3, s7;
	s7 =	simm.s32 @!p0 $0x108  }
0x21: {  	s3 =	sadd.s32 s3, s9;
	s6 =	sadd.s32 @!p0 $0x88, s6;
	s7 =	simm.s32 @p2 $0x1082  }
0x22: {  	[simem:s7], [sflag:s8] =	dma.local @!p0 [hbm:s6], $0xF7A  }
0x23: {  	s9 =	sor.u32 $0xD0000000, s2;
	s6 =	simm.s32 $0x108;
	_ =	swait.ge @!p0 [sflag:s8], $0x0  }
0x24: {  	s3 =	sadd.s32 $0x88, s3;
	s6 =	simm.s32 @!p1 $0x1082;
	[sflag:s4] =	ssyncset.s32 $0xFFFFF086  }
0x25: {  	[simem:s6], [sflag:s4] =	dma.local [hbm:s3], $0xF7A  }
0x26: {  	[smem:$0x3F93] =	sst s1;
	(tag) =	ssettag s2;
	_ =	strace s9  }
0x27: {  	s1 =	sld [smem:$0x3FA3]  }
0x28: {  	s2 =	sld [smem:$0x3FA4]  }
0x29: {  	s4 =	sld [smem:$0x3FA6]  }
0x2a: {  	p0 =	seq.s32 s5, $0x0;
	s5 =	sld [smem:$0x3FA7]  }
0x2b: {  	s6 =	sld [smem:$0x3FA8]  }
0x2c: {  	s7 =	sld [smem:$0x3FA9]  }
0x2d: {  	s3 =	simm.s32 $0x108;
	s8 =	sld [smem:$0x3FAA]  }
0x2e: {  	s3 =	simm.s32 @!p0 $0x1082;
	s9 =	sld [smem:$0x3FAB]  }
0x2f: {  	lr =	sadd.s32 s0, s3;
	s0 =	sld [smem:$0x3FA2]  }
0x30: {  	s3 =	sld [smem:$0x3FA5]  }
0x31: {  	[smem:$0x3FAE] =	sst s10  }
0x32: {  	s10 =	sld [smem:$0x3FAC];
	_ =	sdelay $0x3  }
0x33: {  	p0 =	seq.s32 s10, $0x1;
	s10 =	sld [smem:$0x3FAE];
	_ =	sdelay $0x3  }
0x34: {  	[smem:$0x3FAE] =	sst s10  }
0x35: {  	s10 =	sld [smem:$0x3FAD];
	_ =	sdelay $0x3  }
0x36: {  	p1 =	seq.s32 s10, $0x1;
	s10 =	sld [smem:$0x3FAE];
	_ =	sdelay $0x3  }
0x37: {  	[smem:$0x3FAE] =	sst s10  }
0x38: {  	s10 =	sld [smem:$0x3FAF]  }
0x39: {  	_ = 	snop;
	(pc) =	sbr.ind lr, $3  }
0x3a: {  	_ = 	snop  }
0x3b: {  	_ = 	snop  }
0x3c: {  	p2 =	seq.s32 s10, $0x1;
	s10 =	sld [smem:$0x3FAE]  }
0x3d: {  	_ =	shalt  }
0x3e: {  	_ =	shalt  }
0x3f: {  	_ =	shalt  }
0x40: {  	_ =	shalt  }
0x41: {  	_ =	shalt  }
0x42: {  	_ =	shalt  }
0x43: {  	_ =	shalt  }
0x44: {  	_ =	shalt  }
0x45: {  	_ =	shalt  }
0x46: {  	_ =	shalt  }
0x47: {  	_ =	shalt  }
0x48: {  	_ =	shalt  }
0x49: {  	_ =	shalt  }
0x4a: {  	_ =	shalt  }
0x4b: {  	_ =	shalt  }
0x4c: {  	_ =	shalt  }
0x4d: {  	_ =	shalt  }
0x4e: {  	_ =	shalt  }
0x4f: {  	_ =	shalt  }
0x50: {  	_ =	shalt  }
0x51: {  	_ =	shalt  }
0x52: {  	_ =	shalt  }
0x53: {  	_ =	shalt  }
0x54: {  	_ =	shalt  }
0x55: {  	_ =	shalt  }
0x56: {  	_ =	shalt  }
0x57: {  	_ =	shalt  }
0x58: {  	_ =	shalt  }
0x59: {  	_ =	shalt  }
0x5a: {  	_ =	shalt  }
0x5b: {  	_ =	shalt  }
0x5c: {  	_ =	shalt  }
0x5d: {  	_ =	shalt  }
0x5e: {  	_ =	shalt  }
0x5f: {  	_ =	shalt  }
0x60: {  	_ =	shalt  }
0x61: {  	_ =	shalt  }
0x62: {  	_ =	shalt  }
0x63: {  	_ =	shalt  }
0x64: {  	_ =	shalt  }
0x65: {  	_ =	shalt  }
0x66: {  	_ =	shalt  }
0x67: {  	_ =	shalt  }
0x68: {  	_ =	shalt  }
0x69: {  	_ =	shalt  }
0x6a: {  	_ =	shalt  }
0x6b: {  	_ =	shalt  }
0x6c: {  	_ =	shalt  }
0x6d: {  	_ =	shalt  }
0x6e: {  	_ =	shalt  }
0x6f: {  	_ =	shalt  }
0x70: {  	_ =	shalt  }
0x71: {  	_ =	shalt  }
0x72: {  	_ =	shalt  }
0x73: {  	_ =	shalt  }
0x74: {  	_ =	shalt  }
0x75: {  	_ =	shalt  }
0x76: {  	_ =	shalt  }
0x77: {  	_ =	shalt  }
0x78: {  	_ =	shalt  }
0x79: {  	_ =	shalt  }
0x7a: {  	_ =	shalt  }
0x7b: {  	_ =	shalt  }
0x7c: {  	_ =	shalt  }
0x7d: {  	_ =	shalt  }
0x7e: {  	_ =	shalt  }
0x7f: {  	_ =	shalt  }
0x80: {  	_ =	shalt  }
0x81: {  	_ =	shalt  }
0x82: {  	_ =	shalt  }
0x83: {  	_ =	shalt  }
0x84: {  	_ =	shalt  }
0x85: {  	_ =	shalt  }
0x86: {  	_ =	shalt  }
0x87: {  	_ =	shalt  }
.Lfunc_end0:
.L_simem_size_0:
called_computation_lowered:
.L_overlay_start_0:
0x88: {  	s2 =	sld [smem:$0x3FD9]  }
0x89: {  	s3 =	sld [smem:$0x3FFE];
	_ =	sdelay $0x1  }
0x8a: {  	s1 =	srdreg.scid  }
0x8b: {  	s0 =	sand.u32 $0x1, s1  }
0x8c: {  	s14 =	sshll.u32 s0, $0xA;
	s2 =	sadd.s32 s3, s2  }
0x8d: {  	s2 =	sadd.s32 s2, s14  }
0x8e: {  	[smem:$0x3FBA] =	sst s2  }
0x8f: {  	_ = 	snop  }
0x90: {  	s2 =	sld [smem:$0x3FD0];
	_ =	sdelay $0x2  }
0x91: {  	s15 =	simm.s32 $0xA;
	s4 =	simm.s32 $0x10  }
0x92: {  	[smem:s4], [sflag:s15] =	dma.local [hbm:s2], $0x1  }
0x93: {  	_ =	swait.eq [sflag:s15], $0x1  }
0x94: {  	[sflag:s15] =	ssyncset.done $0x0  }
0x95: {  	[sflag:s15] =	ssyncadd.s32 $0xFFFFFFFF  }
0x96: {  	s16 =	sld [smem:$0x10];
	(tm) =	ssettm $0x1  }
0x97: {  	s17 =	sld [smem:$0x3FFB];
	_ =	sdelay $0x3  }
0x98: {  	_ =	strace s17  }
0x99: {  	s3 =	sld [smem:$0x3FFC];
	_ =	sdelay $0x3  }
0x9a: {  	_ =	strace s3  }
0x9b: {  	s3 =	sld [smem:$0x3FFD];
	_ =	sdelay $0x3  }
0x9c: {  	_ =	strace s3  }
0x9d: {  	_ =	strace $0x8FFFFFFF  }
0x9e: {  	s18 =	sld [smem:$0x3FDB];
	_ =	sdelay $0x1  }
0x9f: {  	s19 =	simm.s32 $_scs_section_size  }
0xa0: {  	s5 =	simm.s32 $_size__tile_overlayer_lowered;
	s6 =	simm.s32 $_tile_overlayer_lowered  }
0xa1: {  	s22 =	simm.s32 $0x1BFF;
	s21 =	sshll.u32 s6, $0x1;
	s3 =	sadd.s32 s19, s18  }
0xa2: {  	s7 =	simm.s32 $0x0;
	s20 =	sshll.u32 s5, $0x1;
	s5 =	sadd.s32 s21, s3  }
0xa3: {  	[timem:s7], [sflag:s22] =	dma.local [hbm:s5], s20  }
0xa4: {  	_ =	swait.ge [sflag:s22], s20  }
0xa5: {  	s4 =	ssub.s32 $0x0, s20;
	[sflag:s22] =	ssyncset.done $0x0  }
0xa6: {  	[sflag:s22] =	ssyncadd.s32 s4;
	_ =	sdelay $0x1  }
0xa7: {  	s23 =	simm.s32 $0x1B8B  }
0xa8: {  	_ =	swait.ge [sflag:s23], $0x1  }
0xa9: {  	[sflag:s23] =	ssyncset.done $0x0  }
0xaa: {  	s25 =	simm.s32 $0x1B8E;
	s24 =	sld [smem:$0x3FFE];
	[sflag:s23] =	ssyncadd.s32 $0xFFFFFFFF  }
0xab: {  	s26 =	simm.s32 $execute0_lowered;
	[smem:$0x3FD2] =	sst s25  }
0xac: {  	s5 =	sshll.u32 s26, $0x1;
	_ =	strace $0x80000046;
	[dreg:$0x1] =	wrdreg $0xFFFFFFFF  }
0xad: {  	s28 =	simm.s32 $_size_execute0_lowered;
	s3 =	sadd.s32 s3, s5;
	[dreg:$0x0] =	wrdreg $0x0  }
0xae: {  	s5 =	sshll.u32 s28, $0x1;
	[dreg:$0x2] =	wrdreg s3  }
0xaf: {  	[dreg:$0x3] =	wrdreg s5  }
0xb0: {  	[dreg:$0x4] =	wrdreg $0xC0  }
0xb1: {  	_ =	task [dreg:s7], $0x5FFFF  }
0xb2: {  	[dreg:$0x1] =	wrdreg $0xFFFFFFFF  }
0xb3: {  	[dreg:$0x0] =	wrdreg $0x60  }
0xb4: {  	[dreg:$0x2] =	wrdreg s24  }
0xb5: {  	[dreg:$0x3] =	wrdreg s16  }
0xb6: {  	[dreg:$0x4] =	wrdreg $0x9  }
0xb7: {  	_ =	task.clear_ibuf [dreg:s7], $0x5FFFF;
	_ =	strace $0x90000046  }
0xb8: {  	s29 =	simm.s32 $0x9;
	_ =	strace $0x80000048  }
0xb9: {  	_ =	swait.ge [sflag:s29], $0x1  }
0xba: {  	[sflag:s29] =	ssyncadd.s32 $0xFFFFFFFF  }
0xbb: {  	_ =	strace $0x90000048  }
0xbc: {  	_ =	sfence  }
0xbd: {  	s30 =	sld [smem:$0x0];
	_ =	sdelay $0x2  }
0xbe: {  	s31 =	sshll.u32 s1, $0xD;
	s1 =	sshrl.u32 s1, $0x2  }
0xbf: {  	s3 =	sand.u32 $0x4000, s31;
	s1 =	sadd.s32 s1, s30  }
0xc0: {  	s0 =	sor.u32 s3, s0;
	s1 =	sshll.u32 s1, $0x11  }
0xc1: {  	s0 =	sor.u32 s1, s0  }
0xc2: {  	s0 =	sadd.s32 $0x8F2B, s0  }
0xc3: {  	[sflag:s0] =	ssyncadd.remote.s32 $0x1  }
0xc4: {  	_ =	sfence.sel $0xFFFF  }
0xc5: {  	[dreg:$0x0] =	wrdreg $0xFFFFFFFF;
	(pc) =	sbr.abs _section_cstart, $3  }
0xc6: {  	[dreg:$0x1] =	wrdreg $0xFFFFFFFF  }
0xc7: {  	_ =	task.clear_ibuf [dreg:s7], $0x2FFFF;
	_ =	strace $0x9FFFFFFF  }
0xc8: {  	(tm) =	ssettm $0x7FFFFFFF  }
0xc9: {  	_ =	shalt  }
tec
execute0_lowered:
.L_overlay_start_1:
0x0: {  	(tag) =	ssettag $0x1  }
0x1: {  	s0 =	rddreg [dreg:$0x0];
	s1 =	srdreg.scid  }
0x2: {  	s3 =	stileid.u32;
	s2 =	rddreg [dreg:$0x1];
	s7 =	simm.s32 $0x2  }
0x3: {  	s9 =	simm.s32 $0x880;
	s10 =	simm.s32 $0x1080;
	s11 =	simm.s32 $0x1880  }
0x4: {  	s12 =	simm.s32 $0x2080;
	s13 =	simm.s32 $0x2880;
	s14 =	simm.s32 $0x3080  }
0x5: {  	s15 =	simm.s32 $0x3880;
	s16 =	simm.s32 $0x4080;
	s17 =	simm.s32 $0x4880  }
0x6: {  	s18 =	simm.s32 $0x5080;
	s19 =	simm.s32 $0x5880;
	s20 =	simm.s32 $0x1  }
0x7: {  	s21 =	simm.s32 $0x6080;
	s1 =	sand.u32 $0x1, s1;
	s4 =	sshll.u32 s3, $0x1  }
0x8: {  	s22 =	simm.s32 $0x0;
	s3 =	simm.s32 $0x0;
	s4 =	sor.u32 s1, s4  }
0x9: {  	[smem:$0x7FF] =	sst s3;
	s1 =	ssub.s32 $0x2, s1;
	s5 =	smul.u32 $0xC, s4  }
0xa: {  	v2 =	vlaneseq.u32;
	_ =	strace $0x80000047;
	s4 =	sshll.u32 s4, $0x9;
	s6 =	sshrl.u32 s1, $0x1  }
0xb: {  	vm0 =	vmmov $0xffff;
	v1 =	vshrl.u32 v2, $0x3;
	s1 =	ssub.s32 s1, s6;
	s5 =	sadd.s32 s5, s0;
	s0 =	sadd.s32 s4, s0  }
0xc: {  	v0 =	vand.u32 $0x7, v2;
	v2 =	vor.u32 $0x8, v2;
	v1 =	vmul.u32 $0x8, v1;
	s6 =	smax.u32 s1, $0x1;
	s4 =	sadd.s32 $0x1600, s5;
	s5 =	sadd.s32 $0x1800, s0  }
.LBB2_1:
0xd: {  	[tilespmem:s3], [sflag:$0x2] =	stream.linear.gather [hbm4b:s4+s3], $0x60, $0x38;
	[tilespmem:$0x7080] =	vst v63  }
0xe: {  	_ =	swait.ge [sflag:s7], $0x60  }
0xf: {  	[sflag:s7] =	ssyncset.done $0x0  }
0x10: {  	[sflag:s7] =	ssyncadd.s32 $0xFFFFFFA0  }
0x11: {  	v3 =	vld [tilespmem:$0x0];
	_ =	sdelay $0x4  }
0x12: {  	v4 =	vshll.u32 v3, $0x1  }
0x13: {  	v3 =	vand.u32 $0x7, v3;
	v4 =	vand.u32 $0xFFFFFFF0, v4  }
0x14: {  	v3 =	vor.u32 v3, v4  }
0x15: {  	v4 =	vperm.xlane v3, v0;
	_ =	sdelay $0x1  }
0x16: {  	v3 =	vperm.xlane v3, v2;
	v4 =	vadd.s32 v1, v4;
	_ =	sdelay $0x1  }
0x17: {  	v3 =	vadd.s32 v1, v3;
	_ =	sdelay $0x1  }
0x18: {  	s0 =	simm.s32 $0x80  }
0x19: {  	[tilespmem:s0], [sflag:$0x1] =	stream.indirect_vreg.gather [hbm4b:s2+s3], $0x80, v4, vm0, $0xb8;
	[tilespmem:$0x7080] =	vst v63  }
0x1a: {  	_ = 	snop  }
0x1b: {  	[tilespmem:s9], [sflag:$0x1] =	stream.indirect_vreg.gather [hbm4b:s2+s3], $0x80, v3, vm0, $0xb8;
	[tilespmem:$0x7080] =	vst v63  }
0x1c: {  	v3 =	vld [tilespmem:$0x10];
	_ =	sdelay $0x4  }
0x1d: {  	v4 =	vshll.u32 v3, $0x1  }
0x1e: {  	v3 =	vand.u32 $0x7, v3;
	v4 =	vand.u32 $0xFFFFFFF0, v4  }
0x1f: {  	v3 =	vor.u32 v3, v4  }
0x20: {  	v4 =	vperm.xlane v3, v0;
	_ =	sdelay $0x1  }
0x21: {  	v3 =	vperm.xlane v3, v2;
	v4 =	vadd.s32 v1, v4;
	_ =	sdelay $0x1  }
0x22: {  	v3 =	vadd.s32 v1, v3;
	_ =	sdelay $0x2  }
0x23: {  	[tilespmem:s10], [sflag:$0x1] =	stream.indirect_vreg.gather [hbm4b:s2+s3], $0x80, v4, vm0, $0xb8;
	[tilespmem:$0x7080] =	vst v63  }
0x24: {  	_ = 	snop  }
0x25: {  	[tilespmem:s11], [sflag:$0x1] =	stream.indirect_vreg.gather [hbm4b:s2+s3], $0x80, v3, vm0, $0xb8;
	[tilespmem:$0x7080] =	vst v63  }
0x26: {  	v3 =	vld [tilespmem:$0x20];
	_ =	sdelay $0x4  }
0x27: {  	v4 =	vshll.u32 v3, $0x1  }
0x28: {  	v3 =	vand.u32 $0x7, v3;
	v4 =	vand.u32 $0xFFFFFFF0, v4  }
0x29: {  	v3 =	vor.u32 v3, v4  }
0x2a: {  	v4 =	vperm.xlane v3, v0;
	_ =	sdelay $0x1  }
0x2b: {  	v3 =	vperm.xlane v3, v2;
	v4 =	vadd.s32 v1, v4;
	_ =	sdelay $0x1  }
0x2c: {  	v3 =	vadd.s32 v1, v3;
	_ =	sdelay $0x2  }
0x2d: {  	[tilespmem:s12], [sflag:$0x1] =	stream.indirect_vreg.gather [hbm4b:s2+s3], $0x80, v4, vm0, $0xb8;
	[tilespmem:$0x7080] =	vst v63  }
0x2e: {  	_ = 	snop  }
0x2f: {  	[tilespmem:s13], [sflag:$0x1] =	stream.indirect_vreg.gather [hbm4b:s2+s3], $0x80, v3, vm0, $0xb8;
	[tilespmem:$0x7080] =	vst v63  }
0x30: {  	v3 =	vld [tilespmem:$0x30];
	_ =	sdelay $0x4  }
0x31: {  	v4 =	vshll.u32 v3, $0x1  }
0x32: {  	v3 =	vand.u32 $0x7, v3;
	v4 =	vand.u32 $0xFFFFFFF0, v4  }
0x33: {  	v3 =	vor.u32 v3, v4  }
0x34: {  	v4 =	vperm.xlane v3, v0;
	_ =	sdelay $0x1  }
0x35: {  	v3 =	vperm.xlane v3, v2;
	v4 =	vadd.s32 v1, v4;
	_ =	sdelay $0x1  }
0x36: {  	v3 =	vadd.s32 v1, v3;
	_ =	sdelay $0x2  }
0x37: {  	[tilespmem:s14], [sflag:$0x1] =	stream.indirect_vreg.gather [hbm4b:s2+s3], $0x80, v4, vm0, $0xb8;
	[tilespmem:$0x7080] =	vst v63  }
0x38: {  	_ = 	snop  }
0x39: {  	[tilespmem:s15], [sflag:$0x1] =	stream.indirect_vreg.gather [hbm4b:s2+s3], $0x80, v3, vm0, $0xb8;
	[tilespmem:$0x7080] =	vst v63  }
0x3a: {  	v3 =	vld [tilespmem:$0x40];
	_ =	sdelay $0x4  }
0x3b: {  	v4 =	vshll.u32 v3, $0x1  }
0x3c: {  	v3 =	vand.u32 $0x7, v3;
	v4 =	vand.u32 $0xFFFFFFF0, v4  }
0x3d: {  	v3 =	vor.u32 v3, v4  }
0x3e: {  	v4 =	vperm.xlane v3, v0;
	_ =	sdelay $0x1  }
0x3f: {  	v3 =	vperm.xlane v3, v2;
	v4 =	vadd.s32 v1, v4;
	_ =	sdelay $0x1  }
0x40: {  	v3 =	vadd.s32 v1, v3;
	_ =	sdelay $0x2  }
0x41: {  	[tilespmem:s16], [sflag:$0x1] =	stream.indirect_vreg.gather [hbm4b:s2+s3], $0x80, v4, vm0, $0xb8;
	[tilespmem:$0x7080] =	vst v63  }
0x42: {  	_ = 	snop  }
0x43: {  	[tilespmem:s17], [sflag:$0x1] =	stream.indirect_vreg.gather [hbm4b:s2+s3], $0x80, v3, vm0, $0xb8;
	[tilespmem:$0x7080] =	vst v63  }
0x44: {  	v3 =	vld [tilespmem:$0x50];
	_ =	sdelay $0x4  }
0x45: {  	v4 =	vshll.u32 v3, $0x1  }
0x46: {  	v3 =	vand.u32 $0x7, v3;
	v4 =	vand.u32 $0xFFFFFFF0, v4  }
0x47: {  	v3 =	vor.u32 v3, v4  }
0x48: {  	v4 =	vperm.xlane v3, v0;
	_ =	sdelay $0x1  }
0x49: {  	v3 =	vperm.xlane v3, v2;
	v4 =	vadd.s32 v1, v4;
	_ =	sdelay $0x1  }
0x4a: {  	v3 =	vadd.s32 v1, v3;
	_ =	sdelay $0x2  }
0x4b: {  	[tilespmem:s18], [sflag:$0x1] =	stream.indirect_vreg.gather [hbm4b:s2+s3], $0x80, v4, vm0, $0xb8;
	[tilespmem:$0x7080] =	vst v63  }
0x4c: {  	_ = 	snop  }
0x4d: {  	[tilespmem:s19], [sflag:$0x1] =	stream.indirect_vreg.gather [hbm4b:s2+s3], $0x80, v3, vm0, $0xb8;
	[tilespmem:$0x7080] =	vst v63  }
0x4e: {  	_ =	swait.ge [sflag:s20], $0x6000  }
0x4f: {  	s24 =	sand.u32 $0x7800, s3;
	s1 =	sand.u32 $0x300, s3;
	[sflag:s20] =	ssyncset.done $0x0  }
0x50: {  	s23 =	sor.u32 s1, s24;
	[sflag:s20] =	ssyncadd.s32 $0xFFFFA000  }
0x51: {  	s25 =	simm.s32 $0x200;
	s26 =	simm.s32 $0x100;
	v3 =	vld [tilespmem:s23+$0x80]  }
0x52: {  	s1 =	sand.u32 $0x300, s26;
	s0 =	sand.u32 $0xF800, s25;
	v4 =	vld [tilespmem:s23+$0x100]  }
0x53: {  	s26 =	simm.s32 $0x300;
	s25 =	simm.s32 $0x180;
	s24 =	sor.u32 s1, s0  }
0x54: {  	s8 =	sand.u32 $0xF800, s26;
	s26 =	sand.u32 $0x380, s25;
	v5 =	vld [tilespmem:s24+$0x80]  }
0x55: {  	s25 =	sor.u32 s26, s8;
	s8 =	simm.s32 $0x400;
	s26 =	simm.s32 $0x200  }
0x56: {  	s0 =	sand.u32 $0xF800, s8;
	s1 =	sand.u32 $0x300, s26;
	v6 =	vld [tilespmem:s25+$0x80]  }
0x57: {  	s8 =	simm.s32 $0x280;
	s26 =	sor.u32 s1, s0;
	s1 =	simm.s32 $0x500;
	v3 =	vadd.f32 v4, v3  }
0x58: {  	s0 =	sand.u32 $0xF800, s1;
	s1 =	sand.u32 $0x380, s8;
	v4 =	vld [tilespmem:s26+$0x80]  }
0x59: {  	s29 =	sor.u32 s1, s0;
	v3 =	vadd.f32 v5, v3  }
0x5a: {  	v5 =	vld [tilespmem:s29+$0x80]  }
0x5b: {  	v3 =	vadd.f32 v6, v3;
	_ =	sdelay $0x1  }
0x5c: {  	v3 =	vadd.f32 v4, v3;
	_ =	sdelay $0x1  }
0x5d: {  	s8 =	sand.u32 $0x380, s3;
	s1 =	sand.u32 $0x800, s3;
	v3 =	vadd.f32 v5, v3  }
0x5e: {  	s28 =	sor.u32 s8, s1  }
0x5f: {  	[tilespmem:s28+$0x6080] =	vst v3  }
0x60: {  	v3 =	vld [tilespmem:s23+$0x90]  }
0x61: {  	v4 =	vld [tilespmem:s23+$0x110];
	_ =	sdelay $0x1  }
0x62: {  	v5 =	vld [tilespmem:s24+$0x90];
	_ =	sdelay $0x1  }
0x63: {  	v50 =	vld [tilespmem:s25+$0x90]  }
0x64: {  	v3 =	vadd.f32 v4, v3  }
0x65: {  	v4 =	vld [tilespmem:s26+$0x90]  }
0x66: {  	v3 =	vadd.f32 v5, v3  }
0x67: {  	v5 =	vld [tilespmem:s29+$0x90]  }
0x68: {  	v3 =	vadd.f32 v50, v3;
	_ =	sdelay $0x1  }
0x69: {  	v3 =	vadd.f32 v4, v3;
	_ =	sdelay $0x1  }
0x6a: {  	v3 =	vadd.f32 v5, v3;
	_ =	sdelay $0x1  }
0x6b: {  	[tilespmem:s28+$0x6090] =	vst v3  }
0x6c: {  	v3 =	vld [tilespmem:s23+$0xA0]  }
0x6d: {  	v4 =	vld [tilespmem:s23+$0x120];
	_ =	sdelay $0x1  }
0x6e: {  	v5 =	vld [tilespmem:s24+$0xA0];
	_ =	sdelay $0x1  }
0x6f: {  	v51 =	vld [tilespmem:s25+$0xA0]  }
0x70: {  	v3 =	vadd.f32 v4, v3  }
0x71: {  	v4 =	vld [tilespmem:s26+$0xA0]  }
0x72: {  	v3 =	vadd.f32 v5, v3  }
0x73: {  	v5 =	vld [tilespmem:s29+$0xA0]  }
0x74: {  	v3 =	vadd.f32 v51, v3;
	_ =	sdelay $0x1  }
0x75: {  	v3 =	vadd.f32 v4, v3;
	_ =	sdelay $0x1  }
0x76: {  	v3 =	vadd.f32 v5, v3;
	_ =	sdelay $0x1  }
0x77: {  	[tilespmem:s28+$0x60A0] =	vst v3  }
0x78: {  	v3 =	vld [tilespmem:s23+$0xB0]  }
0x79: {  	v4 =	vld [tilespmem:s23+$0x130];
	_ =	sdelay $0x1  }
0x7a: {  	v5 =	vld [tilespmem:s24+$0xB0];
	_ =	sdelay $0x1  }
0x7b: {  	v52 =	vld [tilespmem:s25+$0xB0]  }
0x7c: {  	v3 =	vadd.f32 v4, v3  }
0x7d: {  	v4 =	vld [tilespmem:s26+$0xB0]  }
0x7e: {  	v3 =	vadd.f32 v5, v3  }
0x7f: {  	v5 =	vld [tilespmem:s29+$0xB0]  }
0x80: {  	v3 =	vadd.f32 v52, v3;
	_ =	sdelay $0x1  }
0x81: {  	v3 =	vadd.f32 v4, v3;
	_ =	sdelay $0x1  }
0x82: {  	v3 =	vadd.f32 v5, v3;
	_ =	sdelay $0x1  }
0x83: {  	[tilespmem:s28+$0x60B0] =	vst v3  }
0x84: {  	v3 =	vld [tilespmem:s23+$0xC0]  }
0x85: {  	v4 =	vld [tilespmem:s23+$0x140];
	_ =	sdelay $0x1  }
0x86: {  	v5 =	vld [tilespmem:s24+$0xC0];
	_ =	sdelay $0x1  }
0x87: {  	v53 =	vld [tilespmem:s25+$0xC0]  }
0x88: {  	v3 =	vadd.f32 v4, v3  }
0x89: {  	v4 =	vld [tilespmem:s26+$0xC0]  }
0x8a: {  	v3 =	vadd.f32 v5, v3  }
0x8b: {  	v5 =	vld [tilespmem:s29+$0xC0]  }
0x8c: {  	v3 =	vadd.f32 v53, v3;
	_ =	sdelay $0x1  }
0x8d: {  	v3 =	vadd.f32 v4, v3;
	_ =	sdelay $0x1  }
0x8e: {  	v3 =	vadd.f32 v5, v3;
	_ =	sdelay $0x1  }
0x8f: {  	[tilespmem:s28+$0x60C0] =	vst v3  }
0x90: {  	v3 =	vld [tilespmem:s23+$0xD0]  }
0x91: {  	v4 =	vld [tilespmem:s23+$0x150];
	_ =	sdelay $0x1  }
0x92: {  	v5 =	vld [tilespmem:s24+$0xD0];
	_ =	sdelay $0x1  }
0x93: {  	v54 =	vld [tilespmem:s25+$0xD0]  }
0x94: {  	v3 =	vadd.f32 v4, v3  }
0x95: {  	v4 =	vld [tilespmem:s26+$0xD0]  }
0x96: {  	v3 =	vadd.f32 v5, v3  }
0x97: {  	v5 =	vld [tilespmem:s29+$0xD0]  }
0x98: {  	v3 =	vadd.f32 v54, v3;
	_ =	sdelay $0x1  }
0x99: {  	v3 =	vadd.f32 v4, v3;
	_ =	sdelay $0x1  }
0x9a: {  	v3 =	vadd.f32 v5, v3;
	_ =	sdelay $0x1  }
0x9b: {  	[tilespmem:s28+$0x60D0] =	vst v3  }
0x9c: {  	v3 =	vld [tilespmem:s23+$0xE0]  }
0x9d: {  	v4 =	vld [tilespmem:s23+$0x160];
	_ =	sdelay $0x1  }
0x9e: {  	v5 =	vld [tilespmem:s24+$0xE0];
	_ =	sdelay $0x1  }
0x9f: {  	v55 =	vld [tilespmem:s25+$0xE0]  }
0xa0: {  	v3 =	vadd.f32 v4, v3  }
0xa1: {  	v4 =	vld [tilespmem:s26+$0xE0]  }
0xa2: {  	v3 =	vadd.f32 v5, v3  }
0xa3: {  	v5 =	vld [tilespmem:s29+$0xE0]  }
0xa4: {  	v3 =	vadd.f32 v55, v3;
	_ =	sdelay $0x1  }
0xa5: {  	v3 =	vadd.f32 v4, v3;
	_ =	sdelay $0x1  }
0xa6: {  	v3 =	vadd.f32 v5, v3;
	_ =	sdelay $0x1  }
0xa7: {  	[tilespmem:s28+$0x60E0] =	vst v3  }
0xa8: {  	v3 =	vld [tilespmem:s23+$0xF0]  }
0xa9: {  	v4 =	vld [tilespmem:s23+$0x170];
	_ =	sdelay $0x1  }
0xaa: {  	v5 =	vld [tilespmem:s24+$0xF0];
	_ =	sdelay $0x1  }
0xab: {  	v56 =	vld [tilespmem:s25+$0xF0]  }
0xac: {  	v3 =	vadd.f32 v4, v3  }
0xad: {  	v4 =	vld [tilespmem:s26+$0xF0]  }
0xae: {  	v3 =	vadd.f32 v5, v3  }
0xaf: {  	v5 =	vld [tilespmem:s29+$0xF0]  }
0xb0: {  	v3 =	vadd.f32 v56, v3;
	_ =	sdelay $0x1  }
0xb1: {  	v3 =	vadd.f32 v4, v3;
	_ =	sdelay $0x1  }
0xb2: {  	v3 =	vadd.f32 v5, v3;
	_ =	sdelay $0x1  }
0xb3: {  	[tilespmem:s28+$0x60F0] =	vst v3  }
0xb4: {  	v3 =	vld [tilespmem:s23+$0x480]  }
0xb5: {  	v4 =	vld [tilespmem:s23+$0x500];
	_ =	sdelay $0x1  }
0xb6: {  	v5 =	vld [tilespmem:s24+$0x480];
	_ =	sdelay $0x1  }
0xb7: {  	v57 =	vld [tilespmem:s25+$0x480]  }
0xb8: {  	v3 =	vadd.f32 v4, v3  }
0xb9: {  	v4 =	vld [tilespmem:s26+$0x480]  }
0xba: {  	v3 =	vadd.f32 v5, v3  }
0xbb: {  	v5 =	vld [tilespmem:s29+$0x480]  }
0xbc: {  	v3 =	vadd.f32 v57, v3;
	_ =	sdelay $0x1  }
0xbd: {  	v3 =	vadd.f32 v4, v3;
	_ =	sdelay $0x1  }
0xbe: {  	v3 =	vadd.f32 v5, v3;
	_ =	sdelay $0x1  }
0xbf: {  	[tilespmem:s28+$0x6480] =	vst v3  }
0xc0: {  	v3 =	vld [tilespmem:s23+$0x490]  }
0xc1: {  	v4 =	vld [tilespmem:s23+$0x510];
	_ =	sdelay $0x1  }
0xc2: {  	v5 =	vld [tilespmem:s24+$0x490];
	_ =	sdelay $0x1  }
0xc3: {  	v58 =	vld [tilespmem:s25+$0x490]  }
0xc4: {  	v3 =	vadd.f32 v4, v3  }
0xc5: {  	v4 =	vld [tilespmem:s26+$0x490]  }
0xc6: {  	v3 =	vadd.f32 v5, v3  }
0xc7: {  	v5 =	vld [tilespmem:s29+$0x490]  }
0xc8: {  	v3 =	vadd.f32 v58, v3;
	_ =	sdelay $0x1  }
0xc9: {  	v3 =	vadd.f32 v4, v3;
	_ =	sdelay $0x1  }
0xca: {  	v3 =	vadd.f32 v5, v3;
	_ =	sdelay $0x1  }
0xcb: {  	[tilespmem:s28+$0x6490] =	vst v3  }
0xcc: {  	v3 =	vld [tilespmem:s23+$0x4A0]  }
0xcd: {  	v4 =	vld [tilespmem:s23+$0x520];
	_ =	sdelay $0x1  }
0xce: {  	v5 =	vld [tilespmem:s24+$0x4A0];
	_ =	sdelay $0x1  }
0xcf: {  	v59 =	vld [tilespmem:s25+$0x4A0]  }
0xd0: {  	v3 =	vadd.f32 v4, v3  }
0xd1: {  	v4 =	vld [tilespmem:s26+$0x4A0]  }
0xd2: {  	v3 =	vadd.f32 v5, v3  }
0xd3: {  	v5 =	vld [tilespmem:s29+$0x4A0]  }
0xd4: {  	v3 =	vadd.f32 v59, v3;
	_ =	sdelay $0x1  }
0xd5: {  	v3 =	vadd.f32 v4, v3;
	_ =	sdelay $0x1  }
0xd6: {  	v3 =	vadd.f32 v5, v3;
	_ =	sdelay $0x1  }
0xd7: {  	[tilespmem:s28+$0x64A0] =	vst v3  }
0xd8: {  	v3 =	vld [tilespmem:s23+$0x4B0]  }
0xd9: {  	v4 =	vld [tilespmem:s23+$0x530];
	_ =	sdelay $0x1  }
0xda: {  	v5 =	vld [tilespmem:s24+$0x4B0];
	_ =	sdelay $0x1  }
0xdb: {  	v60 =	vld [tilespmem:s25+$0x4B0]  }
0xdc: {  	v3 =	vadd.f32 v4, v3  }
0xdd: {  	v4 =	vld [tilespmem:s26+$0x4B0]  }
0xde: {  	v3 =	vadd.f32 v5, v3  }
0xdf: {  	v5 =	vld [tilespmem:s29+$0x4B0]  }
0xe0: {  	v3 =	vadd.f32 v60, v3;
	_ =	sdelay $0x1  }
0xe1: {  	v3 =	vadd.f32 v4, v3;
	_ =	sdelay $0x1  }
0xe2: {  	v3 =	vadd.f32 v5, v3;
	_ =	sdelay $0x1  }
0xe3: {  	[tilespmem:s28+$0x64B0] =	vst v3  }
0xe4: {  	v3 =	vld [tilespmem:s23+$0x4C0]  }
0xe5: {  	v4 =	vld [tilespmem:s23+$0x540];
	_ =	sdelay $0x1  }
0xe6: {  	v5 =	vld [tilespmem:s24+$0x4C0];
	_ =	sdelay $0x1  }
0xe7: {  	v61 =	vld [tilespmem:s25+$0x4C0]  }
0xe8: {  	v3 =	vadd.f32 v4, v3  }
0xe9: {  	v4 =	vld [tilespmem:s26+$0x4C0]  }
0xea: {  	v3 =	vadd.f32 v5, v3  }
0xeb: {  	v5 =	vld [tilespmem:s29+$0x4C0]  }
0xec: {  	v3 =	vadd.f32 v61, v3;
	_ =	sdelay $0x1  }
0xed: {  	v3 =	vadd.f32 v4, v3;
	_ =	sdelay $0x1  }
0xee: {  	v3 =	vadd.f32 v5, v3;
	_ =	sdelay $0x1  }
0xef: {  	[tilespmem:s28+$0x64C0] =	vst v3  }
0xf0: {  	v3 =	vld [tilespmem:s23+$0x4D0]  }
0xf1: {  	v4 =	vld [tilespmem:s23+$0x550];
	_ =	sdelay $0x1  }
0xf2: {  	v5 =	vld [tilespmem:s24+$0x4D0];
	_ =	sdelay $0x1  }
0xf3: {  	v62 =	vld [tilespmem:s25+$0x4D0]  }
0xf4: {  	v3 =	vadd.f32 v4, v3  }
0xf5: {  	v4 =	vld [tilespmem:s26+$0x4D0]  }
0xf6: {  	v3 =	vadd.f32 v5, v3  }
0xf7: {  	v5 =	vld [tilespmem:s29+$0x4D0]  }
0xf8: {  	v3 =	vadd.f32 v62, v3;
	_ =	sdelay $0x1  }
0xf9: {  	v3 =	vadd.f32 v4, v3;
	_ =	sdelay $0x1  }
0xfa: {  	v3 =	vadd.f32 v5, v3;
	_ =	sdelay $0x1  }
0xfb: {  	[tilespmem:s28+$0x64D0] =	vst v3  }
0xfc: {  	v3 =	vld [tilespmem:s23+$0x4E0]  }
0xfd: {  	v4 =	vld [tilespmem:s23+$0x560];
	_ =	sdelay $0x1  }
0xfe: {  	v5 =	vld [tilespmem:s24+$0x4E0];
	_ =	sdelay $0x1  }
0xff: {  	v63 =	vld [tilespmem:s25+$0x4E0]  }
0x100: {  	v3 =	vadd.f32 v4, v3  }
0x101: {  	v4 =	vld [tilespmem:s26+$0x4E0]  }
0x102: {  	v3 =	vadd.f32 v5, v3  }
0x103: {  	v5 =	vld [tilespmem:s29+$0x4E0]  }
0x104: {  	v3 =	vadd.f32 v63, v3;
	_ =	sdelay $0x1  }
0x105: {  	v3 =	vadd.f32 v4, v3  }
0x106: {  	s30 =	simm.s32 $0x300  }
0x107: {  	s31 =	simm.s32 $0x0;
	s0 =	simm.s32 $0x0;
	s1 =	simm.s32 $0x0;
	v3 =	vadd.f32 v5, v3  }
.LBB2_2:
0x108: {  	s31 =	sadd.s32 $0x80, s31;
	s1 =	sadd.s32 $0x100, s1;
	s0 =	sadd.s32 $0x600, s0  }
0x109: {  	p0 =	sne.s32 s30, $0x2D00;
	s8 =	smov.u32 s30;
	s30 =	sadd.s32 $0x300, s30;
	[tilespmem:s28+$0x64E0] =	vst v3  }
0x10a: {  	v3 =	vld [tilespmem:s23+$0x4F0]  }
0x10b: {  	v4 =	vld [tilespmem:s23+$0x570]  }
0x10c: {  	v5 =	vld [tilespmem:s24+$0x4F0]  }
0x10d: {  	v6 =	vld [tilespmem:s25+$0x4F0]  }
0x10e: {  	v7 =	vld [tilespmem:s26+$0x4F0]  }
0x10f: {  	v8 =	vld [tilespmem:s29+$0x4F0]  }
0x110: {  	v3 =	vadd.f32 v4, v3;
	_ =	sdelay $0x1  }
0x111: {  	v3 =	vadd.f32 v5, v3;
	_ =	sdelay $0x1  }
0x112: {  	v3 =	vadd.f32 v6, v3;
	_ =	sdelay $0x1  }
0x113: {  	v3 =	vadd.f32 v7, v3  }
0x114: {  	s23 =	sand.u32 $0x7800, s0;
	s24 =	sand.u32 $0x300, s8  }
0x115: {  	s23 =	sor.u32 s24, s23;
	v3 =	vadd.f32 v8, v3;
	_ =	sdelay $0x1  }
0x116: {  	s24 =	sadd.s32 $0x200, s0;
	s25 =	sadd.s32 $0x100, s8;
	s26 =	sadd.s32 $0x180, s8;
	[tilespmem:s28+$0x64F0] =	vst v3  }
0x117: {  	s24 =	sand.u32 $0xF800, s24;
	s25 =	sand.u32 $0x300, s25;
	s28 =	sadd.s32 $0x300, s0;
	v3 =	vld [tilespmem:s23+$0x80]  }
0x118: {  	s24 =	sor.u32 s25, s24;
	s26 =	sand.u32 $0x380, s26;
	s25 =	sand.u32 $0xF800, s28;
	v4 =	vld [tilespmem:s23+$0x100]  }
0x119: {  	s28 =	sadd.s32 $0x200, s8;
	s25 =	sor.u32 s26, s25;
	s26 =	sadd.s32 $0x400, s0;
	v5 =	vld [tilespmem:s24+$0x80]  }
0x11a: {  	s28 =	sand.u32 $0x300, s28;
	s26 =	sand.u32 $0xF800, s26;
	v6 =	vld [tilespmem:s25+$0x80]  }
0x11b: {  	s8 =	sadd.s32 $0x280, s8;
	s26 =	sor.u32 s28, s26;
	s28 =	sadd.s32 $0x500, s0  }
0x11c: {  	s8 =	sand.u32 $0x380, s8;
	s28 =	sand.u32 $0xF800, s28;
	v7 =	vld [tilespmem:s26+$0x80]  }
0x11d: {  	s29 =	sor.u32 s8, s28;
	v3 =	vadd.f32 v4, v3  }
0x11e: {  	v4 =	vld [tilespmem:s29+$0x80]  }
0x11f: {  	v3 =	vadd.f32 v5, v3;
	_ =	sdelay $0x1  }
0x120: {  	v3 =	vadd.f32 v6, v3;
	_ =	sdelay $0x1  }
0x121: {  	v3 =	vadd.f32 v7, v3;
	_ =	sdelay $0x1  }
0x122: {  	s8 =	sand.u32 $0x800, s1;
	s28 =	sand.u32 $0x380, s31;
	v3 =	vadd.f32 v4, v3  }
0x123: {  	s28 =	sor.u32 s28, s8  }
0x124: {  	[tilespmem:s28+$0x6080] =	vst v3  }
0x125: {  	v3 =	vld [tilespmem:s23+$0x90]  }
0x126: {  	v4 =	vld [tilespmem:s23+$0x110];
	_ =	sdelay $0x1  }
0x127: {  	v5 =	vld [tilespmem:s24+$0x90];
	_ =	sdelay $0x1  }
0x128: {  	v6 =	vld [tilespmem:s25+$0x90]  }
0x129: {  	v3 =	vadd.f32 v4, v3  }
0x12a: {  	v4 =	vld [tilespmem:s26+$0x90]  }
0x12b: {  	v3 =	vadd.f32 v5, v3  }
0x12c: {  	v5 =	vld [tilespmem:s29+$0x90]  }
0x12d: {  	v3 =	vadd.f32 v6, v3;
	_ =	sdelay $0x1  }
0x12e: {  	v3 =	vadd.f32 v4, v3;
	_ =	sdelay $0x1  }
0x12f: {  	v3 =	vadd.f32 v5, v3;
	_ =	sdelay $0x1  }
0x130: {  	[tilespmem:s28+$0x6090] =	vst v3  }
0x131: {  	v3 =	vld [tilespmem:s23+$0xA0]  }
0x132: {  	v4 =	vld [tilespmem:s23+$0x120];
	_ =	sdelay $0x1  }
0x133: {  	v5 =	vld [tilespmem:s24+$0xA0];
	_ =	sdelay $0x1  }
0x134: {  	v6 =	vld [tilespmem:s25+$0xA0]  }
0x135: {  	v3 =	vadd.f32 v4, v3  }
0x136: {  	v4 =	vld [tilespmem:s26+$0xA0]  }
0x137: {  	v3 =	vadd.f32 v5, v3  }
0x138: {  	v5 =	vld [tilespmem:s29+$0xA0]  }
0x139: {  	v3 =	vadd.f32 v6, v3;
	_ =	sdelay $0x1  }
0x13a: {  	v3 =	vadd.f32 v4, v3;
	_ =	sdelay $0x1  }
0x13b: {  	v3 =	vadd.f32 v5, v3;
	_ =	sdelay $0x1  }
0x13c: {  	[tilespmem:s28+$0x60A0] =	vst v3  }
0x13d: {  	v3 =	vld [tilespmem:s23+$0xB0]  }
0x13e: {  	v4 =	vld [tilespmem:s23+$0x130];
	_ =	sdelay $0x1  }
0x13f: {  	v5 =	vld [tilespmem:s24+$0xB0];
	_ =	sdelay $0x1  }
0x140: {  	v6 =	vld [tilespmem:s25+$0xB0]  }
0x141: {  	v3 =	vadd.f32 v4, v3  }
0x142: {  	v4 =	vld [tilespmem:s26+$0xB0]  }
0x143: {  	v3 =	vadd.f32 v5, v3  }
0x144: {  	v5 =	vld [tilespmem:s29+$0xB0]  }
0x145: {  	v3 =	vadd.f32 v6, v3;
	_ =	sdelay $0x1  }
0x146: {  	v3 =	vadd.f32 v4, v3;
	_ =	sdelay $0x1  }
0x147: {  	v3 =	vadd.f32 v5, v3;
	_ =	sdelay $0x1  }
0x148: {  	[tilespmem:s28+$0x60B0] =	vst v3  }
0x149: {  	v3 =	vld [tilespmem:s23+$0xC0]  }
0x14a: {  	v4 =	vld [tilespmem:s23+$0x140];
	_ =	sdelay $0x1  }
0x14b: {  	v5 =	vld [tilespmem:s24+$0xC0];
	_ =	sdelay $0x1  }
0x14c: {  	v6 =	vld [tilespmem:s25+$0xC0]  }
0x14d: {  	v3 =	vadd.f32 v4, v3  }
0x14e: {  	v4 =	vld [tilespmem:s26+$0xC0]  }
0x14f: {  	v3 =	vadd.f32 v5, v3  }
0x150: {  	v5 =	vld [tilespmem:s29+$0xC0]  }
0x151: {  	v3 =	vadd.f32 v6, v3;
	_ =	sdelay $0x1  }
0x152: {  	v3 =	vadd.f32 v4, v3;
	_ =	sdelay $0x1  }
0x153: {  	v3 =	vadd.f32 v5, v3;
	_ =	sdelay $0x1  }
0x154: {  	[tilespmem:s28+$0x60C0] =	vst v3  }
0x155: {  	v3 =	vld [tilespmem:s23+$0xD0]  }
0x156: {  	v4 =	vld [tilespmem:s23+$0x150]  }
0x157: {  	v5 =	vld [tilespmem:s25+$0xD0]  }
0x158: {  	v6 =	vld [tilespmem:s24+$0xD0];
	_ =	sdelay $0x2  }
0x159: {  	v3 =	vadd.f32 v4, v3  }
0x15a: {  	v4 =	vld [tilespmem:s26+$0xD0]  }
0x15b: {  	v3 =	vadd.f32 v6, v3  }
0x15c: {  	v6 =	vld [tilespmem:s29+$0xD0]  }
0x15d: {  	v3 =	vadd.f32 v5, v3;
	_ =	sdelay $0x1  }
0x15e: {  	v3 =	vadd.f32 v4, v3;
	_ =	sdelay $0x1  }
0x15f: {  	v3 =	vadd.f32 v6, v3;
	_ =	sdelay $0x1  }
0x160: {  	[tilespmem:s28+$0x60D0] =	vst v3  }
0x161: {  	v3 =	vld [tilespmem:s23+$0xE0]  }
0x162: {  	v4 =	vld [tilespmem:s23+$0x160]  }
0x163: {  	v5 =	vld [tilespmem:s24+$0xE0];
	_ =	sdelay $0x2  }
0x164: {  	v6 =	vld [tilespmem:s25+$0xE0]  }
0x165: {  	v3 =	vadd.f32 v4, v3  }
0x166: {  	v4 =	vld [tilespmem:s26+$0xE0]  }
0x167: {  	v3 =	vadd.f32 v5, v3  }
0x168: {  	v5 =	vld [tilespmem:s29+$0xE0]  }
0x169: {  	v3 =	vadd.f32 v6, v3;
	_ =	sdelay $0x1  }
0x16a: {  	v3 =	vadd.f32 v4, v3;
	_ =	sdelay $0x1  }
0x16b: {  	v3 =	vadd.f32 v5, v3;
	_ =	sdelay $0x1  }
0x16c: {  	[tilespmem:s28+$0x60E0] =	vst v3  }
0x16d: {  	v3 =	vld [tilespmem:s23+$0xF0]  }
0x16e: {  	v4 =	vld [tilespmem:s23+$0x170];
	_ =	sdelay $0x1  }
0x16f: {  	v5 =	vld [tilespmem:s24+$0xF0];
	_ =	sdelay $0x1  }
0x170: {  	v6 =	vld [tilespmem:s25+$0xF0]  }
0x171: {  	v3 =	vadd.f32 v4, v3  }
0x172: {  	v4 =	vld [tilespmem:s26+$0xF0]  }
0x173: {  	v3 =	vadd.f32 v5, v3  }
0x174: {  	v5 =	vld [tilespmem:s29+$0xF0]  }
0x175: {  	v3 =	vadd.f32 v6, v3;
	_ =	sdelay $0x1  }
0x176: {  	v3 =	vadd.f32 v4, v3;
	_ =	sdelay $0x1  }
0x177: {  	v3 =	vadd.f32 v5, v3;
	_ =	sdelay $0x1  }
0x178: {  	[tilespmem:s28+$0x60F0] =	vst v3  }
0x179: {  	v3 =	vld [tilespmem:s23+$0x480]  }
0x17a: {  	v4 =	vld [tilespmem:s23+$0x500];
	_ =	sdelay $0x1  }
0x17b: {  	v5 =	vld [tilespmem:s24+$0x480];
	_ =	sdelay $0x1  }
0x17c: {  	v6 =	vld [tilespmem:s25+$0x480]  }
0x17d: {  	v3 =	vadd.f32 v4, v3  }
0x17e: {  	v4 =	vld [tilespmem:s26+$0x480]  }
0x17f: {  	v3 =	vadd.f32 v5, v3  }
0x180: {  	v5 =	vld [tilespmem:s29+$0x480]  }
0x181: {  	v3 =	vadd.f32 v6, v3;
	_ =	sdelay $0x1  }
0x182: {  	v3 =	vadd.f32 v4, v3;
	_ =	sdelay $0x1  }
0x183: {  	v3 =	vadd.f32 v5, v3;
	_ =	sdelay $0x1  }
0x184: {  	[tilespmem:s28+$0x6480] =	vst v3  }
0x185: {  	v3 =	vld [tilespmem:s23+$0x490]  }
0x186: {  	v4 =	vld [tilespmem:s23+$0x510]  }
0x187: {  	v5 =	vld [tilespmem:s24+$0x490]  }
0x188: {  	v6 =	vld [tilespmem:s25+$0x490]  }
0x189: {  	v7 =	vld [tilespmem:s26+$0x490]  }
0x18a: {  	v8 =	vld [tilespmem:s29+$0x490]  }
0x18b: {  	v3 =	vadd.f32 v4, v3;
	_ =	sdelay $0x1  }
0x18c: {  	v3 =	vadd.f32 v5, v3;
	_ =	sdelay $0x1  }
0x18d: {  	v3 =	vadd.f32 v6, v3;
	_ =	sdelay $0x1  }
0x18e: {  	v3 =	vadd.f32 v7, v3;
	_ =	sdelay $0x1  }
0x18f: {  	v3 =	vadd.f32 v8, v3;
	_ =	sdelay $0x1  }
0x190: {  	[tilespmem:s28+$0x6490] =	vst v3  }
0x191: {  	v3 =	vld [tilespmem:s23+$0x4A0]  }
0x192: {  	v4 =	vld [tilespmem:s23+$0x520]  }
0x193: {  	v5 =	vld [tilespmem:s25+$0x4A0]  }
0x194: {  	v6 =	vld [tilespmem:s24+$0x4A0]  }
0x195: {  	v7 =	vld [tilespmem:s26+$0x4A0]  }
0x196: {  	v8 =	vld [tilespmem:s29+$0x4A0]  }
0x197: {  	v3 =	vadd.f32 v4, v3;
	_ =	sdelay $0x1  }
0x198: {  	v3 =	vadd.f32 v6, v3;
	_ =	sdelay $0x1  }
0x199: {  	v3 =	vadd.f32 v5, v3;
	_ =	sdelay $0x1  }
0x19a: {  	v3 =	vadd.f32 v7, v3;
	_ =	sdelay $0x1  }
0x19b: {  	v3 =	vadd.f32 v8, v3;
	_ =	sdelay $0x1  }
0x19c: {  	[tilespmem:s28+$0x64A0] =	vst v3  }
0x19d: {  	v3 =	vld [tilespmem:s23+$0x4B0]  }
0x19e: {  	v4 =	vld [tilespmem:s23+$0x530]  }
0x19f: {  	v5 =	vld [tilespmem:s24+$0x4B0]  }
0x1a0: {  	v6 =	vld [tilespmem:s25+$0x4B0]  }
0x1a1: {  	v7 =	vld [tilespmem:s26+$0x4B0]  }
0x1a2: {  	v8 =	vld [tilespmem:s29+$0x4B0]  }
0x1a3: {  	v3 =	vadd.f32 v4, v3;
	_ =	sdelay $0x1  }
0x1a4: {  	v3 =	vadd.f32 v5, v3;
	_ =	sdelay $0x1  }
0x1a5: {  	v3 =	vadd.f32 v6, v3;
	_ =	sdelay $0x1  }
0x1a6: {  	v3 =	vadd.f32 v7, v3;
	_ =	sdelay $0x1  }
0x1a7: {  	v3 =	vadd.f32 v8, v3;
	_ =	sdelay $0x1  }
0x1a8: {  	[tilespmem:s28+$0x64B0] =	vst v3  }
0x1a9: {  	v3 =	vld [tilespmem:s23+$0x4C0]  }
0x1aa: {  	v4 =	vld [tilespmem:s23+$0x540]  }
0x1ab: {  	v5 =	vld [tilespmem:s24+$0x4C0]  }
0x1ac: {  	v6 =	vld [tilespmem:s25+$0x4C0]  }
0x1ad: {  	v7 =	vld [tilespmem:s26+$0x4C0]  }
0x1ae: {  	v8 =	vld [tilespmem:s29+$0x4C0]  }
0x1af: {  	v3 =	vadd.f32 v4, v3;
	_ =	sdelay $0x1  }
0x1b0: {  	v3 =	vadd.f32 v5, v3;
	_ =	sdelay $0x1  }
0x1b1: {  	v3 =	vadd.f32 v6, v3;
	_ =	sdelay $0x1  }
0x1b2: {  	v3 =	vadd.f32 v7, v3;
	_ =	sdelay $0x1  }
0x1b3: {  	v3 =	vadd.f32 v8, v3;
	_ =	sdelay $0x1  }
0x1b4: {  	[tilespmem:s28+$0x64C0] =	vst v3  }
0x1b5: {  	v3 =	vld [tilespmem:s23+$0x4D0]  }
0x1b6: {  	v4 =	vld [tilespmem:s23+$0x550]  }
0x1b7: {  	v5 =	vld [tilespmem:s24+$0x4D0]  }
0x1b8: {  	v6 =	vld [tilespmem:s25+$0x4D0]  }
0x1b9: {  	v7 =	vld [tilespmem:s26+$0x4D0]  }
0x1ba: {  	v8 =	vld [tilespmem:s29+$0x4D0]  }
0x1bb: {  	v3 =	vadd.f32 v4, v3;
	_ =	sdelay $0x1  }
0x1bc: {  	v3 =	vadd.f32 v5, v3;
	_ =	sdelay $0x1  }
0x1bd: {  	v3 =	vadd.f32 v6, v3;
	_ =	sdelay $0x1  }
0x1be: {  	v3 =	vadd.f32 v7, v3;
	_ =	sdelay $0x1  }
0x1bf: {  	v3 =	vadd.f32 v8, v3;
	_ =	sdelay $0x1  }
0x1c0: {  	[tilespmem:s28+$0x64D0] =	vst v3  }
0x1c1: {  	v3 =	vld [tilespmem:s23+$0x4E0]  }
0x1c2: {  	v4 =	vld [tilespmem:s23+$0x560]  }
0x1c3: {  	v5 =	vld [tilespmem:s24+$0x4E0]  }
0x1c4: {  	v6 =	vld [tilespmem:s25+$0x4E0]  }
0x1c5: {  	v7 =	vld [tilespmem:s26+$0x4E0]  }
0x1c6: {  	v8 =	vld [tilespmem:s29+$0x4E0]  }
0x1c7: {  	v3 =	vadd.f32 v4, v3;
	_ =	sdelay $0x1  }
0x1c8: {  	v3 =	vadd.f32 v5, v3;
	_ =	sdelay $0x1  }
.Ltmp0:
0x1c9: {  	v3 =	vadd.f32 v6, v3;
	(pc) =	sbr.rel @p0 .LBB2_2-.Ltmp0, $3  }
0x1ca: {  	_ = 	snop  }
0x1cb: {  	v3 =	vadd.f32 v7, v3;
	_ =	sdelay $0x1  }
0x1cc: {  	v3 =	vadd.f32 v8, v3  }
0x1cd: {  	_ = 	snop  }
0x1ce: {  	[tilespmem:s28+$0x64E0] =	vst v3  }
0x1cf: {  	v3 =	vld [tilespmem:s23+$0x4F0]  }
0x1d0: {  	v4 =	vld [tilespmem:s23+$0x570];
	_ =	sdelay $0x1  }
0x1d1: {  	v5 =	vld [tilespmem:s24+$0x4F0];
	_ =	sdelay $0x1  }
0x1d2: {  	v6 =	vld [tilespmem:s25+$0x4F0]  }
0x1d3: {  	v3 =	vadd.f32 v4, v3  }
0x1d4: {  	v62 =	vld [tilespmem:s26+$0x4F0]  }
0x1d5: {  	v3 =	vadd.f32 v5, v3  }
0x1d6: {  	v63 =	vld [tilespmem:s29+$0x4F0]  }
0x1d7: {  	v3 =	vadd.f32 v6, v3;
	_ =	sdelay $0x1  }
0x1d8: {  	v3 =	vadd.f32 v62, v3;
	_ =	sdelay $0x1  }
0x1d9: {  	s22 =	sadd.s32 $0x1, s22;
	v3 =	vadd.f32 v63, v3  }
0x1da: {  	p0 =	sne.s32 s22, s6  }
.Ltmp1:
0x1db: {  	[tilespmem:s28+$0x64F0] =	vst v3;
	(pc) =	sbr.rel @p0 .LBB2_1-.Ltmp1, $4  }
0x1dc: {  	[hbm4b:s5+s3] =	stream.linear.scatter [tilespmem:s21], [sflag:$0x2], $0x1000, $0x38;
	[tilespmem:$0x7080] =	vst v63  }
0x1dd: {  	_ =	swait.ge [sflag:s7], $0x1000  }
0x1de: {  	[sflag:s7] =	ssyncset.done $0x0  }
0x1df: {  	[sflag:s7] =	ssyncadd.s32 $0xFFFFF000  }
0x1e0: {  	_ =	sfence.sel $0x180000  }
0x1e1: {  	[bflag:$0x0] =	sbarrier.arrive $0xFFFF  }
0x1e2: {  	_ =	strace $0x90000047  }
0x1e3: {  	s0 =	stileid.u32;
	[bflag:$0x2] =	sbarrier.arrive $0xFFFF  }
0x1e4: {  	p0 =	sne.s32 s0, $0x0;
	s0 =	rddreg [dreg:$0x2]  }
0x1e5: {  	s0 =	sadd.s32 @!p0 $0x100000, s0  }
0x1e6: {  	[sflag:s0] =	ssyncadd.tile.s32 @!p0 $0x1;
	_ =	shalt  }
.Lfunc_end2:
_tile_overlayer_lowered:
.L_overlay_start_2:
0x1e7: {  	(tag) =	ssettag $0x2  }
0x1e8: {  	s0 =	rddreg [dreg:$0x0];
	s2 =	stileid.u32  }
0x1e9: {  	s1 =	rddreg [dreg:$0x1];
	p0 =	sne.s32 s2, $0x0  }
0x1ea: {  	s3 =	rddreg [dreg:$0x2];
	[bflag:$0x3] =	sbarrier.arrive $0xFFFF;
	s2 =	simm.s32 @!p0 $0x1C02  }
0x1eb: {  	[timem:s3], [sflag:s2] =	dma.local @!p0 [hbm:s0], s1  }
0x1ec: {  	s0 =	simm.s32 @!p0 $0x2  }
0x1ed: {  	_ =	swait.ge @!p0 [sflag:s0], s1  }
0x1ee: {  	s1 =	ssub.s32 @!p0 $0x0, s1;
	[sflag:s0] =	ssyncset.done @!p0 $0x0  }
0x1ef: {  	[sflag:s0] =	ssyncadd.s32 @!p0 s1  }
0x1f0: {  	[bflag:$0x3] =	sbarrier.arrive $0xFFFF  }
0x1f1: {  	_ =	shalt  }

</sc_bundles>
